<compile_context>
chip_gen: v7x
topology: tpu7x:2x2x1
jax: 0.10.2.dev20260603
libtpu: 0.0.44.dev20260713+nightly
codegen_flags: <defaults>
</compile_context>

<pallas_src>
import functools

import jax
import jax.numpy as jnp
from jax import lax
from jax.experimental import pallas as pl
from jax.experimental.pallas import tpu as pltpu
from jax.experimental.pallas import tpu_sc as plsc

_N = 10000
_E = 320000
_IN = 31
_HID = 128
_NCLS = 20

_NC = 2
_NS = 16
_NT = _NC * _NS
_EPT = _E // _NT
_K = 80
_NCHUNK = _EPT // _K
_ACC_ROWS = 10240
_ZROWS = 128
_RPT = 624
_TAIL = _N - _RPT * _NS

_mesh = plsc.VectorSubcoreMesh(core_axis_name="c", subcore_axis_name="s")


def _zero_fill(ref, rows, width):
    per_row = width // 16

    def body(i, _):
        ref[i // per_row, pl.ds((i % per_row) * 16, 16)] = jnp.zeros(
            (16,), jnp.float32)
        return 0

    lax.fori_loop(0, rows * per_row, body, 0)


def _unpack_chunk(packed_v, j, src_c, dst_c):
    for i in range(_K // 16):
        v = packed_v[j, pl.ds(i * 16, 16)]
        if src_c is not None:
            src_c[pl.ds(i * 16, 16)] = jnp.bitwise_and(v, 0xFFFF)
        dst_c[pl.ds(i * 16, 16)] = lax.shift_right_logical(v, 16)


@functools.partial(
    pl.kernel,
    mesh=_mesh,
    out_type=jax.ShapeDtypeStruct((_NC, _N, 16), jnp.float32),
    scratch_types=[
        pltpu.VMEM((_NCHUNK, _K), jnp.int32),
        pltpu.VMEM((_K,), jnp.int32),
        pltpu.VMEM((_K, 16), jnp.float32),
        pltpu.VMEM((_ZROWS, 16), jnp.float32),
        pltpu.VMEM_SHARED((_ACC_ROWS, 16), jnp.float32),
    ],
)
def _deg_kernel(packed_hbm, out_hbm, packed_v, dst_c, ones_v, zero_v, acc_sh):
    c = lax.axis_index("c")
    s = lax.axis_index("s")
    tid = c * _NS + s

    def ofill(i, _):
        ones_v[i] = jnp.ones((16,), jnp.float32)
        return 0

    lax.fori_loop(0, _K, ofill, 0)
    _zero_fill(zero_v, _ZROWS, 16)

    def zinit(j, _):
        pltpu.sync_copy(zero_v, acc_sh.at[pl.ds(s * 640 + j * _ZROWS, _ZROWS)])
        return 0

    lax.fori_loop(0, 640 // _ZROWS, zinit, 0)
    pltpu.sync_copy(packed_hbm.at[tid], packed_v)
    plsc.subcore_barrier()

    def body(j, _):
        _unpack_chunk(packed_v, j, None, dst_c)
        pltpu.sync_copy(ones_v, acc_sh.at[dst_c], add=True)
        return 0

    lax.fori_loop(0, _NCHUNK, body, 0)
    plsc.subcore_barrier()
    pltpu.sync_copy(acc_sh.at[pl.ds(s * _RPT, _RPT)],
                    out_hbm.at[c, pl.ds(s * _RPT, _RPT)])

    @pl.when(s == 0)
    def _():
        pltpu.sync_copy(acc_sh.at[pl.ds(_RPT * _NS, _TAIL)],
                        out_hbm.at[c, pl.ds(_RPT * _NS, _TAIL)])


@functools.partial(
    pl.kernel,
    mesh=_mesh,
    out_type=jax.ShapeDtypeStruct((_NC, _N, _HID), jnp.float32),
    scratch_types=[
        pltpu.VMEM((_NCHUNK, _K), jnp.int32),
        pltpu.VMEM((_K,), jnp.int32),
        pltpu.VMEM((_K,), jnp.int32),
        pltpu.VMEM((_K,), jnp.int32),
        pltpu.VMEM((_K,), jnp.int32),
        pltpu.VMEM((_K, _HID), jnp.float32),
        pltpu.VMEM((_K, _HID), jnp.float32),
        pltpu.VMEM_SHARED((_ACC_ROWS, _HID), jnp.float32),
        pltpu.SemaphoreType.DMA,
    ],
)
def _scatter_kernel(y_hbm, packed_hbm, out_hbm, packed_v,
                    src_c0, dst_c0, src_c1, dst_c1, buf0, buf1,
                    acc_sh, sem0):
    c = lax.axis_index("c")
    s = lax.axis_index("s")
    tid = c * _NS + s

    _zero_fill(buf0, _K, _HID)

    def zinit(j, _):
        pltpu.sync_copy(buf0, acc_sh.at[pl.ds(s * 640 + j * _K, _K)])
        return 0

    lax.fori_loop(0, 640 // _K, zinit, 0)
    pltpu.sync_copy(packed_hbm.at[tid], packed_v)
    plsc.subcore_barrier()

    def body(j, _):
        _unpack_chunk(packed_v, j, src_c0, dst_c0)
        pltpu.async_copy(y_hbm.at[src_c0], buf0, sem0).wait()
        pltpu.sync_copy(buf0, acc_sh.at[dst_c0], add=True)
        return 0

    lax.fori_loop(0, _NCHUNK, body, 0)
    plsc.subcore_barrier()
    pltpu.sync_copy(acc_sh.at[pl.ds(s * _RPT, _RPT)],
                    out_hbm.at[c, pl.ds(s * _RPT, _RPT)])

    @pl.when(s == 0)
    def _():
        pltpu.sync_copy(acc_sh.at[pl.ds(_RPT * _NS, _TAIL)],
                        out_hbm.at[c, pl.ds(_RPT * _NS, _TAIL)])


_BLK = 1000


def _dinv_block(degp_ref):
    deg = 1.0 + degp_ref[0, :, 0:1] + degp_ref[1, :, 0:1]
    return lax.rsqrt(deg)


def _enc_body(x_ref, we_ref, be_ref, w1_ref, degp_ref, y1_ref):
    dinv = _dinv_block(degp_ref)
    h0 = jnp.maximum(
        jnp.dot(x_ref[...], we_ref[...], preferred_element_type=jnp.float32)
        + be_ref[...], 0.0)
    y1_ref[...] = dinv * jnp.dot(
        h0, w1_ref[...], preferred_element_type=jnp.float32)


def _mid_body(acc_ref, y_ref, degp_ref, b_ref, w_ref, out_ref):
    dinv = _dinv_block(degp_ref)
    h = jnp.maximum(
        dinv * (acc_ref[0] + acc_ref[1] + y_ref[...]) + b_ref[...], 0.0)
    out_ref[...] = dinv * jnp.dot(
        h, w_ref[...], preferred_element_type=jnp.float32)


def _out_body(acc_ref, y_ref, degp_ref, b_ref, wc_ref, bc_ref, out_ref):
    dinv = _dinv_block(degp_ref)
    h = jnp.maximum(
        dinv * (acc_ref[0] + acc_ref[1] + y_ref[...]) + b_ref[...], 0.0)
    out_ref[...] = jnp.dot(
        h, wc_ref[...], preferred_element_type=jnp.float32) + bc_ref[...]


_full = lambda *dims: pl.BlockSpec(dims, lambda i: tuple(0 for _ in dims))
_rows = lambda *dims: pl.BlockSpec(dims, lambda i: (i,) + tuple(
    0 for _ in dims[1:]))
_acc_spec = pl.BlockSpec((_NC, _BLK, _HID), lambda i: (0, i, 0))
_degp_spec = pl.BlockSpec((_NC, _BLK, 16), lambda i: (0, i, 0))

_enc_call = pl.pallas_call(
    _enc_body,
    grid=(_N // _BLK,),
    in_specs=[_rows(_BLK, 32), _full(32, _HID), _full(1, _HID),
              _full(_HID, _HID), _degp_spec],
    out_specs=_rows(_BLK, _HID),
    out_shape=jax.ShapeDtypeStruct((_N, _HID), jnp.float32),
)

_mid_call = pl.pallas_call(
    _mid_body,
    grid=(_N // _BLK,),
    in_specs=[_acc_spec, _rows(_BLK, _HID), _degp_spec, _full(1, _HID),
              _full(_HID, _HID)],
    out_specs=_rows(_BLK, _HID),
    out_shape=jax.ShapeDtypeStruct((_N, _HID), jnp.float32),
)

_out_call = pl.pallas_call(
    _out_body,
    grid=(_N // _BLK,),
    in_specs=[_acc_spec, _rows(_BLK, _HID), _degp_spec, _full(1, _HID),
              _full(_HID, _NCLS), _full(1, _NCLS)],
    out_specs=_rows(_BLK, _NCLS),
    out_shape=jax.ShapeDtypeStruct((_N, _NCLS), jnp.float32),
)


def kernel(x, edge_index, W_enc, b_enc, W1, b1, W2, b2, W_cls, b_cls):
    packed = jnp.bitwise_or(
        jnp.left_shift(edge_index[1], 16), edge_index[0]
    ).reshape(_NT, _NCHUNK, _K)
    xp = jnp.pad(x, ((0, 0), (0, 1)))
    Wep = jnp.pad(W_enc, ((0, 1), (0, 0)))
    degp = _deg_kernel(packed)
    y1 = _enc_call(xp, Wep, b_enc.reshape(1, _HID), W1, degp)
    acc1 = _scatter_kernel(y1, packed)
    y2 = _mid_call(acc1, y1, degp, b1.reshape(1, _HID), W2)
    acc2 = _scatter_kernel(y2, packed)
    return _out_call(acc2, y2, degp, b2.reshape(1, _HID), W_cls,
                     b_cls.reshape(1, _NCLS))

# --- scband reference (transcript-rebuilt; emitter-appended) ---
"""Pipeline reference for scband-train-gnnmodel-17678085390367 (READ-ONLY COPY).

The authoritative reference and input builder live on the scoring server;
editing this copy changes nothing except your own understanding.
"""

import jax, jax.numpy as jnp
import numpy as np

N = 10000
E = 320000
IN_DIM = 31
HID = 128
NUM_CLASSES = 20


def gcn_conv(x, edge_index, W, b):
    # PyG GCNConv (default): add self loops, sym-normalize, linear transform, aggregate
    xw = x @ W
    loop = jnp.arange(N, dtype=edge_index.dtype)
    src = jnp.concatenate([edge_index[0], loop])
    dst = jnp.concatenate([edge_index[1], loop])
    ones = jnp.ones(src.shape[0], dtype=jnp.float32)
    deg = jax.ops.segment_sum(ones, dst, num_segments=N)
    dinv = jnp.where(deg > 0, 1.0 / jnp.sqrt(deg), 0.0)
    norm = dinv[src] * dinv[dst]
    msgs = jnp.take(xw, src, axis=0) * norm[:, None]
    out = jax.ops.segment_sum(msgs, dst, num_segments=N)
    return out + b


def setup_inputs(seed: int = 0):
    key = jax.random.key(seed)
    ks = jax.random.split(key, 12)
    x = jax.random.normal(ks[0], (N, IN_DIM), dtype=jnp.float32)
    edge_index = jax.random.randint(ks[1], (2, E), 0, N, dtype=jnp.int32)
    s_enc = 1.0 / np.sqrt(IN_DIM)
    s_hid = 1.0 / np.sqrt(HID)
    W_enc = jax.random.uniform(ks[2], (IN_DIM, HID), jnp.float32, -s_enc, s_enc)
    b_enc = jax.random.uniform(ks[3], (HID,), jnp.float32, -s_enc, s_enc)
    W1 = jax.random.uniform(ks[4], (HID, HID), jnp.float32, -s_hid, s_hid)
    b1 = jnp.zeros((HID,), jnp.float32)
    W2 = jax.random.uniform(ks[5], (HID, HID), jnp.float32, -s_hid, s_hid)
    b2 = jnp.zeros((HID,), jnp.float32)
    W_cls = jax.random.uniform(ks[6], (HID, NUM_CLASSES), jnp.float32, -s_hid, s_hid)
    b_cls = jax.random.uniform(ks[7], (NUM_CLASSES,), jnp.float32, -s_hid, s_hid)
    return {"x": x, "edge_index": edge_index, "W_enc": W_enc, "b_enc": b_enc,
            "W1": W1, "b1": b1, "W2": W2, "b2": b2, "W_cls": W_cls, "b_cls": b_cls}


def reference(x, edge_index, W_enc, b_enc, W1, b1, W2, b2, W_cls, b_cls):
    h = jnp.maximum(x @ W_enc + b_enc, 0.0)  # encoder Linear+ReLU (dropout=eval no-op)
    h = jnp.maximum(gcn_conv(h, edge_index, W1, b1), 0.0)
    h = jnp.maximum(gcn_conv(h, edge_index, W2, b2), 0.0)
    logits = h @ W_cls + b_cls
    return logits

if __name__ == "__main__":
    import jax
    _d = setup_inputs()
    print(jax.jit(kernel)(*tuple(_d.values())))

</pallas_src>

<mosaic_0001>
#map = affine_map<(d0, d1) -> (0, 0, 0)>
module attributes {stable_mosaic.version = 14 : i64} {
  func.func @_deg_kernel(%arg0: i32, %arg1: i32, %arg2: memref<32x125x80xi32, #tpu.memory_space<hbm>>, %arg3: memref<2x10000x16xf32, #tpu.memory_space<hbm>>, %arg4: memref<125x80xi32, #tpu.memory_space<vmem>>, %arg5: memref<80xi32, #tpu.memory_space<vmem>>, %arg6: memref<80x16xf32, #tpu.memory_space<vmem>>, %arg7: memref<128x16xf32, #tpu.memory_space<vmem>>, %arg8: memref<10240x16xf32, #tpu.memory_space<vmem_shared>>) attributes {dimension_semantics = [#tpu.dimension_semantics<core_parallel>, #tpu.dimension_semantics<subcore_parallel>], iteration_bounds = array<i64: 2, 16>, scalar_prefetch = 0 : i64, scratch_operands = 5 : i64, tpu.core_type = #tpu.core_type<sc_vector_subcore>, window_params = [{transform_indices = #map}, {transform_indices = #map}]} {
    %mul3A = arith.constant 16 : i32
    %mul3A_0 = arith.muli %arg0, %mul3A : i32
    %add3A = arith.addi %mul3A_0, %arg1 : i32
    %scan3A = arith.constant 0 : i32
    %scan3A_1 = arith.constant 0 : i32
    %scan3A_2 = arith.constant 80 : i32
    %scan3A_3 = arith.addi %scan3A_1, %scan3A_2 : i32
    %scan3A_4 = arith.constant 1 : i32
    %scan3A_5 = scf.for %scan3A_35 = %scan3A_1 to %scan3A_3 step %scan3A_4 iter_args(%scan3A_36 = %scan3A) -> (i32)  : i32 {
      %broadcast_in_dim3A = arith.constant 1.000000e+00 : f32
      %broadcast_in_dim3A_37 = vector.broadcast %broadcast_in_dim3A : f32 to vector<16xf32>
      %swap3A = arith.index_cast %scan3A_35 : i32 to index
      %swap3A_38 = arith.constant 0 : index
      %swap3A_39 = tpu.vector_load %arg6[%swap3A, %swap3A_38] {strides = array<i32>} : memref<80x16xf32, #tpu.memory_space<vmem>>, vector<1x16xf32>,
      %swap3A_40 = vector.shape_cast %swap3A_39 : vector<1x16xf32> to vector<16xf32>
      %swap3A_41 = vector.shape_cast %broadcast_in_dim3A_37 : vector<16xf32> to vector<1x16xf32>
      tpu.vector_store %arg6[%swap3A, %swap3A_38], %swap3A_41 {strides = array<i32>} : memref<80x16xf32, #tpu.memory_space<vmem>>, vector<1x16xf32>,
      %scan3A_42 = arith.constant 0 : i32
      scf.yield %scan3A_42 : i32
    }
    %scan3A_6 = arith.constant 80 : i32
    %scan3A_7 = arith.constant 0 : i32
    %scan3A_8 = arith.constant 0 : i32
    %scan3A_9 = arith.constant 128 : i32
    %scan3A_10 = arith.addi %scan3A_8, %scan3A_9 : i32
    %scan3A_11 = arith.constant 1 : i32
    %scan3A_12 = scf.for %scan3A_35 = %scan3A_8 to %scan3A_10 step %scan3A_11 iter_args(%scan3A_36 = %scan3A_7) -> (i32)  : i32 {
      %broadcast_in_dim3A = arith.constant 0.000000e+00 : f32
      %broadcast_in_dim3A_37 = vector.broadcast %broadcast_in_dim3A : f32 to vector<16xf32>
      %jit3A = arith.constant 1 : i32
      %div3A = arith.divsi %scan3A_35, %jit3A : i32
      %sign3A = arith.constant 0 : i32
      %sign3A_38 = arith.cmpi sgt, %scan3A_35, %sign3A : i32
      %sign3A_39 = arith.extui %sign3A_38 : i1 to i32
      %sign3A_40 = arith.constant 0 : i32
      %sign3A_41 = arith.cmpi slt, %scan3A_35, %sign3A_40 : i32
      %sign3A_42 = arith.extui %sign3A_41 : i1 to i32
      %sign3A_43 = arith.subi %sign3A_39, %sign3A_42 : i32
      %sign3A_44 = arith.constant 0 : i32
      %sign3A_45 = arith.cmpi sgt, %jit3A, %sign3A_44 : i32
      %sign3A_46 = arith.extui %sign3A_45 : i1 to i32
      %sign3A_47 = arith.constant 0 : i32
      %sign3A_48 = arith.cmpi slt, %jit3A, %sign3A_47 : i32
      %sign3A_49 = arith.extui %sign3A_48 : i1 to i32
      %sign3A_50 = arith.subi %sign3A_46, %sign3A_49 : i32
      %ne3A = arith.cmpi ne, %sign3A_43, %sign3A_50 : i32
      %rem3A = arith.remsi %scan3A_35, %jit3A : i32
      %ne3A_51 = arith.constant 0 : i32
      %ne3A_52 = arith.cmpi ne, %rem3A, %ne3A_51 : i32
      %and3A = arith.andi %ne3A, %ne3A_52 : i1
      %sub3A = arith.constant 1 : i32
      %sub3A_53 = arith.subi %div3A, %sub3A : i32
      %select_n3A = arith.select %and3A, %sub3A_53, %div3A : i32
      %jit3A_54 = arith.constant 1 : i32
      %eq3A_55 = arith.constant 0 : i32
      %eq3A_56 = arith.cmpi eq, %jit3A_54, %eq3A_55 : i32
      %jit3A_57 = arith.constant 1 : i32
      %select_n3A_58 = arith.select %eq3A_56, %jit3A_57, %jit3A_54 : i32
      %rem3A_59 = arith.remsi %scan3A_35, %select_n3A_58 : i32
      %ne3A_60 = arith.constant 0 : i32
      %ne3A_61 = arith.cmpi ne, %rem3A_59, %ne3A_60 : i32
      %lt3A = arith.constant 0 : i32
      %lt3A_62 = arith.cmpi slt, %rem3A_59, %lt3A : i32
      %lt3A_63 = arith.constant 0 : i32
      %lt3A_64 = arith.cmpi slt, %select_n3A_58, %lt3A_63 : i32
      %ne3A_65 = arith.xori %lt3A_62, %lt3A_64 : i1
      %and3A_66 = arith.andi %ne3A_65, %ne3A_61 : i1
      %add3A_67 = arith.addi %rem3A_59, %select_n3A_58 : i32
      %select_n3A_68 = arith.select %and3A_66, %add3A_67, %rem3A_59 : i32
      %mul3A_69 = arith.constant 16 : i32
      %mul3A_70 = arith.muli %select_n3A_68, %mul3A_69 : i32
      %swap3A = arith.index_cast %select_n3A : i32 to index
      %swap3A_71 = arith.index_cast %mul3A_70 : i32 to index
      %swap3A_72 = tpu.vector_load %arg7[%swap3A, %swap3A_71] {strides = array<i32>} : memref<128x16xf32, #tpu.memory_space<vmem>>, vector<1x16xf32>,
      %swap3A_73 = vector.shape_cast %swap3A_72 : vector<1x16xf32> to vector<16xf32>
      %swap3A_74 = vector.shape_cast %broadcast_in_dim3A_37 : vector<16xf32> to vector<1x16xf32>
      tpu.vector_store %arg7[%swap3A, %swap3A_71], %swap3A_74 {strides = array<i32>} : memref<128x16xf32, #tpu.memory_space<vmem>>, vector<1x16xf32>,
      %scan3A_75 = arith.constant 0 : i32
      scf.yield %scan3A_75 : i32
    }
    %scan3A_13 = arith.constant 128 : i32
    %scan3A_14 = arith.constant 0 : i32
    %scan3A_15 = arith.constant 0 : i32
    %scan3A_16 = arith.constant 5 : i32
    %scan3A_17 = arith.addi %scan3A_15, %scan3A_16 : i32
    %scan3A_18 = arith.constant 1 : i32
    %scan3A_19 = scf.for %scan3A_35 = %scan3A_15 to %scan3A_17 step %scan3A_18 iter_args(%scan3A_36 = %scan3A_14) -> (i32)  : i32 {
      %mul3A_37 = arith.constant 640 : i32
      %mul3A_38 = arith.muli %arg1, %mul3A_37 : i32
      %mul3A_39 = arith.constant 128 : i32
      %mul3A_40 = arith.muli %scan3A_35, %mul3A_39 : i32
      %add3A_41 = arith.addi %mul3A_38, %mul3A_40 : i32
      "tpu.region"() ({
        %run_scoped3A = tpu.sem_alloc : memref<!tpu.dma_semaphore, #tpu.memory_space<semaphore_mem>>
        %dma_start3A = arith.constant 0 : i32
        %dma_start3A_43 = tpu.memref_slice %arg8[%add3A_41, %dma_start3A] : memref<10240x16xf32, #tpu.memory_space<vmem_shared>> -> memref<128x16xf32, #tpu.memory_space<vmem_shared>>
        %dma_start3A_44 = arith.constant 0 : i32
        %dma_start3A_45 = tpu.memref_slice %arg8[%add3A_41, %dma_start3A_44] : memref<10240x16xf32, #tpu.memory_space<vmem_shared>> -> memref<128x16xf32, #tpu.memory_space<vmem_shared>>
        tpu.enqueue_dma source(%arg7 : memref<128x16xf32, #tpu.memory_space<vmem>>) target(%dma_start3A_45 : memref<128x16xf32, #tpu.memory_space<vmem_shared>>) target_semaphore(%run_scoped3A : memref<!tpu.dma_semaphore, #tpu.memory_space<semaphore_mem>>)
        %dma_wait3A = arith.constant 0 : i32
        %dma_wait3A_46 = tpu.memref_slice %arg8[%add3A_41, %dma_wait3A] : memref<10240x16xf32, #tpu.memory_space<vmem_shared>> -> memref<128x16xf32, #tpu.memory_space<vmem_shared>>
        %dma_wait3A_47 = arith.constant 0 : i32
        %dma_wait3A_48 = tpu.memref_slice %arg8[%add3A_41, %dma_wait3A_47] : memref<10240x16xf32, #tpu.memory_space<vmem_shared>> -> memref<128x16xf32, #tpu.memory_space<vmem_shared>>
        tpu.wait_dma2 semaphore(%run_scoped3A : memref<!tpu.dma_semaphore, #tpu.memory_space<semaphore_mem>>) src(%arg7 : memref<128x16xf32, #tpu.memory_space<vmem>>) dst(%dma_wait3A_48 : memref<128x16xf32, #tpu.memory_space<vmem_shared>>)
        tpu.yield
      }) : () -> ()
      %scan3A_42 = arith.constant 0 : i32
      scf.yield %scan3A_42 : i32
    }
    %scan3A_20 = arith.constant 5 : i32
    "tpu.region"() ({
      %run_scoped3A = tpu.sem_alloc : memref<!tpu.dma_semaphore, #tpu.memory_space<semaphore_mem>>
      %dma_start3A = arith.constant 0 : i32
      %dma_start3A_35 = arith.constant 0 : i32
      %dma_start3A_36 = tpu.memref_slice %arg2[%add3A, %dma_start3A, %dma_start3A_35] : memref<32x125x80xi32, #tpu.memory_space<hbm>> -> memref<1x125x80xi32, #tpu.memory_space<hbm>>
      %dma_start3A_37 = tpu.memref_squeeze %dma_start3A_36 : memref<1x125x80xi32, #tpu.memory_space<hbm>> -> memref<125x80xi32, #tpu.memory_space<hbm>>
      %dma_start3A_38 = arith.constant 0 : i32
      %dma_start3A_39 = arith.constant 0 : i32
      %dma_start3A_40 = tpu.memref_slice %arg2[%add3A, %dma_start3A_38, %dma_start3A_39] : memref<32x125x80xi32, #tpu.memory_space<hbm>> -> memref<1x125x80xi32, #tpu.memory_space<hbm>>
      %dma_start3A_41 = tpu.memref_squeeze %dma_start3A_40 : memref<1x125x80xi32, #tpu.memory_space<hbm>> -> memref<125x80xi32, #tpu.memory_space<hbm>>
      tpu.enqueue_dma source(%dma_start3A_41 : memref<125x80xi32, #tpu.memory_space<hbm>>) target(%arg4 : memref<125x80xi32, #tpu.memory_space<vmem>>) target_semaphore(%run_scoped3A : memref<!tpu.dma_semaphore, #tpu.memory_space<semaphore_mem>>)
      %dma_wait3A = arith.constant 0 : i32
      %dma_wait3A_42 = arith.constant 0 : i32
      %dma_wait3A_43 = tpu.memref_slice %arg2[%add3A, %dma_wait3A, %dma_wait3A_42] : memref<32x125x80xi32, #tpu.memory_space<hbm>> -> memref<1x125x80xi32, #tpu.memory_space<hbm>>
      %dma_wait3A_44 = tpu.memref_squeeze %dma_wait3A_43 : memref<1x125x80xi32, #tpu.memory_space<hbm>> -> memref<125x80xi32, #tpu.memory_space<hbm>>
      %dma_wait3A_45 = arith.constant 0 : i32
      %dma_wait3A_46 = arith.constant 0 : i32
      %dma_wait3A_47 = tpu.memref_slice %arg2[%add3A, %dma_wait3A_45, %dma_wait3A_46] : memref<32x125x80xi32, #tpu.memory_space<hbm>> -> memref<1x125x80xi32, #tpu.memory_space<hbm>>
      %dma_wait3A_48 = tpu.memref_squeeze %dma_wait3A_47 : memref<1x125x80xi32, #tpu.memory_space<hbm>> -> memref<125x80xi32, #tpu.memory_space<hbm>>
      tpu.wait_dma2 semaphore(%run_scoped3A : memref<!tpu.dma_semaphore, #tpu.memory_space<semaphore_mem>>) src(%dma_wait3A_48 : memref<125x80xi32, #tpu.memory_space<hbm>>) dst(%arg4 : memref<125x80xi32, #tpu.memory_space<vmem>>)
      tpu.yield
    }) : () -> ()
    %barrier3A = arith.constant 0 : index
    tpu.barrier barrier_id(%barrier3A)
    %scan3A_21 = arith.constant 0 : i32
    %scan3A_22 = arith.constant 0 : i32
    %scan3A_23 = arith.constant 125 : i32
    %scan3A_24 = arith.addi %scan3A_22, %scan3A_23 : i32
    %scan3A_25 = arith.constant 1 : i32
    %scan3A_26 = scf.for %scan3A_35 = %scan3A_22 to %scan3A_24 step %scan3A_25 iter_args(%scan3A_36 = %scan3A_21) -> (i32)  : i32 {
      %get3A = arith.index_cast %scan3A_35 : i32 to index
      %get3A_37 = arith.constant 0 : index
      %get3A_38 = tpu.vector_load %arg4[%get3A, %get3A_37] {strides = array<i32>} : memref<125x80xi32, #tpu.memory_space<vmem>>, vector<1x16xi32>,
      %get3A_39 = vector.shape_cast %get3A_38 : vector<1x16xi32> to vector<16xi32>
      %shift_right_logical3A = arith.constant 16 : i32
      %shift_right_logical3A_40 = vector.broadcast %shift_right_logical3A : i32 to vector<16xi32>
      %shift_right_logical3A_41 = arith.shrui %get3A_39, %shift_right_logical3A_40 : vector<16xi32>
      %swap3A = arith.constant 0 : index
      %swap3A_42 = tpu.vector_load %arg5[%swap3A] {strides = array<i32>} : memref<80xi32, #tpu.memory_space<vmem>>, vector<16xi32>,
      %swap3A_43 = vector.shape_cast %swap3A_42 : vector<16xi32> to vector<16xi32>
      %swap3A_44 = vector.shape_cast %shift_right_logical3A_41 : vector<16xi32> to vector<16xi32>
      tpu.vector_store %arg5[%swap3A], %swap3A_44 {strides = array<i32>} : memref<80xi32, #tpu.memory_space<vmem>>, vector<16xi32>,
      %get3A_45 = arith.index_cast %scan3A_35 : i32 to index
      %get3A_46 = arith.constant 16 : index
      %get3A_47 = tpu.vector_load %arg4[%get3A_45, %get3A_46] {strides = array<i32>} : memref<125x80xi32, #tpu.memory_space<vmem>>, vector<1x16xi32>,
      %get3A_48 = vector.shape_cast %get3A_47 : vector<1x16xi32> to vector<16xi32>
      %shift_right_logical3A_49 = arith.constant 16 : i32
      %shift_right_logical3A_50 = vector.broadcast %shift_right_logical3A_49 : i32 to vector<16xi32>
      %shift_right_logical3A_51 = arith.shrui %get3A_48, %shift_right_logical3A_50 : vector<16xi32>
      %swap3A_52 = arith.constant 16 : index
      %swap3A_53 = tpu.vector_load %arg5[%swap3A_52] {strides = array<i32>} : memref<80xi32, #tpu.memory_space<vmem>>, vector<16xi32>,
      %swap3A_54 = vector.shape_cast %swap3A_53 : vector<16xi32> to vector<16xi32>
      %swap3A_55 = vector.shape_cast %shift_right_logical3A_51 : vector<16xi32> to vector<16xi32>
      tpu.vector_store %arg5[%swap3A_52], %swap3A_55 {strides = array<i32>} : memref<80xi32, #tpu.memory_space<vmem>>, vector<16xi32>,
      %get3A_56 = arith.index_cast %scan3A_35 : i32 to index
      %get3A_57 = arith.constant 32 : index
      %get3A_58 = tpu.vector_load %arg4[%get3A_56, %get3A_57] {strides = array<i32>} : memref<125x80xi32, #tpu.memory_space<vmem>>, vector<1x16xi32>,
      %get3A_59 = vector.shape_cast %get3A_58 : vector<1x16xi32> to vector<16xi32>
      %shift_right_logical3A_60 = arith.constant 16 : i32
      %shift_right_logical3A_61 = vector.broadcast %shift_right_logical3A_60 : i32 to vector<16xi32>
      %shift_right_logical3A_62 = arith.shrui %get3A_59, %shift_right_logical3A_61 : vector<16xi32>
      %swap3A_63 = arith.constant 32 : index
      %swap3A_64 = tpu.vector_load %arg5[%swap3A_63] {strides = array<i32>} : memref<80xi32, #tpu.memory_space<vmem>>, vector<16xi32>,
      %swap3A_65 = vector.shape_cast %swap3A_64 : vector<16xi32> to vector<16xi32>
      %swap3A_66 = vector.shape_cast %shift_right_logical3A_62 : vector<16xi32> to vector<16xi32>
      tpu.vector_store %arg5[%swap3A_63], %swap3A_66 {strides = array<i32>} : memref<80xi32, #tpu.memory_space<vmem>>, vector<16xi32>,
      %get3A_67 = arith.index_cast %scan3A_35 : i32 to index
      %get3A_68 = arith.constant 48 : index
      %get3A_69 = tpu.vector_load %arg4[%get3A_67, %get3A_68] {strides = array<i32>} : memref<125x80xi32, #tpu.memory_space<vmem>>, vector<1x16xi32>,
      %get3A_70 = vector.shape_cast %get3A_69 : vector<1x16xi32> to vector<16xi32>
      %shift_right_logical3A_71 = arith.constant 16 : i32
      %shift_right_logical3A_72 = vector.broadcast %shift_right_logical3A_71 : i32 to vector<16xi32>
      %shift_right_logical3A_73 = arith.shrui %get3A_70, %shift_right_logical3A_72 : vector<16xi32>
      %swap3A_74 = arith.constant 48 : index
      %swap3A_75 = tpu.vector_load %arg5[%swap3A_74] {strides = array<i32>} : memref<80xi32, #tpu.memory_space<vmem>>, vector<16xi32>,
      %swap3A_76 = vector.shape_cast %swap3A_75 : vector<16xi32> to vector<16xi32>
      %swap3A_77 = vector.shape_cast %shift_right_logical3A_73 : vector<16xi32> to vector<16xi32>
      tpu.vector_store %arg5[%swap3A_74], %swap3A_77 {strides = array<i32>} : memref<80xi32, #tpu.memory_space<vmem>>, vector<16xi32>,
      %get3A_78 = arith.index_cast %scan3A_35 : i32 to index
      %get3A_79 = arith.constant 64 : index
      %get3A_80 = tpu.vector_load %arg4[%get3A_78, %get3A_79] {strides = array<i32>} : memref<125x80xi32, #tpu.memory_space<vmem>>, vector<1x16xi32>,
      %get3A_81 = vector.shape_cast %get3A_80 : vector<1x16xi32> to vector<16xi32>
      %shift_right_logical3A_82 = arith.constant 16 : i32
      %shift_right_logical3A_83 = vector.broadcast %shift_right_logical3A_82 : i32 to vector<16xi32>
      %shift_right_logical3A_84 = arith.shrui %get3A_81, %shift_right_logical3A_83 : vector<16xi32>
      %swap3A_85 = arith.constant 64 : index
      %swap3A_86 = tpu.vector_load %arg5[%swap3A_85] {strides = array<i32>} : memref<80xi32, #tpu.memory_space<vmem>>, vector<16xi32>,
      %swap3A_87 = vector.shape_cast %swap3A_86 : vector<16xi32> to vector<16xi32>
      %swap3A_88 = vector.shape_cast %shift_right_logical3A_84 : vector<16xi32> to vector<16xi32>
      tpu.vector_store %arg5[%swap3A_85], %swap3A_88 {strides = array<i32>} : memref<80xi32, #tpu.memory_space<vmem>>, vector<16xi32>,
      "tpu.region"() ({
        %run_scoped3A = tpu.sem_alloc : memref<!tpu.dma_semaphore, #tpu.memory_space<semaphore_mem>>
        %dma_start3A = arith.constant 0 : i32
        %dma_start3A_90 = arith.constant 0 : i32
        %dma_start3A_91 = tpu.memref_slice %arg8[%dma_start3A, %dma_start3A_90] : memref<10240x16xf32, #tpu.memory_space<vmem_shared>> -> memref<10240x16xf32, #tpu.memory_space<vmem_shared>>
        tpu.enqueue_indirect_dma source(%arg6 : memref<80x16xf32, #tpu.memory_space<vmem>>) target(%dma_start3A_91 : memref<10240x16xf32, #tpu.memory_space<vmem_shared>>) offsets(%arg5 : memref<80xi32, #tpu.memory_space<vmem>>) semaphore(%run_scoped3A : memref<!tpu.dma_semaphore, #tpu.memory_space<semaphore_mem>>) {add = true}
        %dma_wait3A = arith.constant 0 : i32
        %dma_wait3A_92 = arith.constant 0 : i32
        %dma_wait3A_93 = tpu.memref_slice %arg8[%dma_wait3A, %dma_wait3A_92] : memref<10240x16xf32, #tpu.memory_space<vmem_shared>> -> memref<10240x16xf32, #tpu.memory_space<vmem_shared>>
        tpu.wait_indirect_dma semaphore(%run_scoped3A : memref<!tpu.dma_semaphore, #tpu.memory_space<semaphore_mem>>) src(%arg6 : memref<80x16xf32, #tpu.memory_space<vmem>>) dst(%dma_wait3A_93 : memref<10240x16xf32, #tpu.memory_space<vmem_shared>>)
        tpu.yield
      }) : () -> ()
      %scan3A_89 = arith.constant 0 : i32
      scf.yield %scan3A_89 : i32
    }
    %scan3A_27 = arith.constant 125 : i32
    %barrier3A_28 = arith.constant 0 : index
    tpu.barrier barrier_id(%barrier3A_28)
    %mul3A_29 = arith.constant 624 : i32
    %mul3A_30 = arith.muli %arg1, %mul3A_29 : i32
    %mul3A_31 = arith.constant 624 : i32
    %mul3A_32 = arith.muli %arg1, %mul3A_31 : i32
    "tpu.region"() ({
      %run_scoped3A = tpu.sem_alloc : memref<!tpu.dma_semaphore, #tpu.memory_space<semaphore_mem>>
      %dma_start3A = arith.constant 0 : i32
      %dma_start3A_35 = tpu.memref_slice %arg3[%arg0, %mul3A_32, %dma_start3A] : memref<2x10000x16xf32, #tpu.memory_space<hbm>> -> memref<1x624x16xf32, #tpu.memory_space<hbm>>
      %dma_start3A_36 = tpu.memref_squeeze %dma_start3A_35 : memref<1x624x16xf32, #tpu.memory_space<hbm>> -> memref<624x16xf32, #tpu.memory_space<hbm>>
      %dma_start3A_37 = arith.constant 0 : i32
      %dma_start3A_38 = tpu.memref_slice %arg8[%mul3A_30, %dma_start3A_37] : memref<10240x16xf32, #tpu.memory_space<vmem_shared>> -> memref<624x16xf32, #tpu.memory_space<vmem_shared>>
      tpu.enqueue_dma source(%dma_start3A_38 : memref<624x16xf32, #tpu.memory_space<vmem_shared>>) target(%dma_start3A_36 : memref<624x16xf32, #tpu.memory_space<hbm>>) target_semaphore(%run_scoped3A : memref<!tpu.dma_semaphore, #tpu.memory_space<semaphore_mem>>)
      %dma_wait3A = arith.constant 0 : i32
      %dma_wait3A_39 = tpu.memref_slice %arg3[%arg0, %mul3A_32, %dma_wait3A] : memref<2x10000x16xf32, #tpu.memory_space<hbm>> -> memref<1x624x16xf32, #tpu.memory_space<hbm>>
      %dma_wait3A_40 = tpu.memref_squeeze %dma_wait3A_39 : memref<1x624x16xf32, #tpu.memory_space<hbm>> -> memref<624x16xf32, #tpu.memory_space<hbm>>
      %dma_wait3A_41 = arith.constant 0 : i32
      %dma_wait3A_42 = tpu.memref_slice %arg8[%mul3A_30, %dma_wait3A_41] : memref<10240x16xf32, #tpu.memory_space<vmem_shared>> -> memref<624x16xf32, #tpu.memory_space<vmem_shared>>
      tpu.wait_dma2 semaphore(%run_scoped3A : memref<!tpu.dma_semaphore, #tpu.memory_space<semaphore_mem>>) src(%dma_wait3A_42 : memref<624x16xf32, #tpu.memory_space<vmem_shared>>) dst(%dma_wait3A_40 : memref<624x16xf32, #tpu.memory_space<hbm>>)
      tpu.yield
    }) : () -> ()
    %eq3A = arith.constant 0 : i32
    %eq3A_33 = arith.cmpi eq, %arg1, %eq3A : i32
    %convert_element_type3A = arith.extui %eq3A_33 : i1 to i32
    %cond3A = arith.constant 0 : i32
    %cond3A_34 = arith.cmpi ne, %convert_element_type3A, %cond3A : i32
    scf.if %cond3A_34 {
      "tpu.region"() ({
        %run_scoped3A = tpu.sem_alloc : memref<!tpu.dma_semaphore, #tpu.memory_space<semaphore_mem>>
        %dma_start3A = arith.constant 9984 : i32
        %dma_start3A_35 = arith.constant 0 : i32
        %dma_start3A_36 = tpu.memref_slice %arg3[%arg0, %dma_start3A, %dma_start3A_35] : memref<2x10000x16xf32, #tpu.memory_space<hbm>> -> memref<1x16x16xf32, #tpu.memory_space<hbm>>
        %dma_start3A_37 = tpu.memref_squeeze %dma_start3A_36 : memref<1x16x16xf32, #tpu.memory_space<hbm>> -> memref<16x16xf32, #tpu.memory_space<hbm>>
        %dma_start3A_38 = arith.constant 9984 : i32
        %dma_start3A_39 = arith.constant 0 : i32
        %dma_start3A_40 = tpu.memref_slice %arg8[%dma_start3A_38, %dma_start3A_39] : memref<10240x16xf32, #tpu.memory_space<vmem_shared>> -> memref<16x16xf32, #tpu.memory_space<vmem_shared>>
        tpu.enqueue_dma source(%dma_start3A_40 : memref<16x16xf32, #tpu.memory_space<vmem_shared>>) target(%dma_start3A_37 : memref<16x16xf32, #tpu.memory_space<hbm>>) target_semaphore(%run_scoped3A : memref<!tpu.dma_semaphore, #tpu.memory_space<semaphore_mem>>)
        %dma_wait3A = arith.constant 9984 : i32
        %dma_wait3A_41 = arith.constant 0 : i32
        %dma_wait3A_42 = tpu.memref_slice %arg3[%arg0, %dma_wait3A, %dma_wait3A_41] : memref<2x10000x16xf32, #tpu.memory_space<hbm>> -> memref<1x16x16xf32, #tpu.memory_space<hbm>>
        %dma_wait3A_43 = tpu.memref_squeeze %dma_wait3A_42 : memref<1x16x16xf32, #tpu.memory_space<hbm>> -> memref<16x16xf32, #tpu.memory_space<hbm>>
        %dma_wait3A_44 = arith.constant 9984 : i32
        %dma_wait3A_45 = arith.constant 0 : i32
        %dma_wait3A_46 = tpu.memref_slice %arg8[%dma_wait3A_44, %dma_wait3A_45] : memref<10240x16xf32, #tpu.memory_space<vmem_shared>> -> memref<16x16xf32, #tpu.memory_space<vmem_shared>>
        tpu.wait_dma2 semaphore(%run_scoped3A : memref<!tpu.dma_semaphore, #tpu.memory_space<semaphore_mem>>) src(%dma_wait3A_46 : memref<16x16xf32, #tpu.memory_space<vmem_shared>>) dst(%dma_wait3A_43 : memref<16x16xf32, #tpu.memory_space<hbm>>)
        tpu.yield
      }) : () -> ()
    } else {
    }
    return
  }
}

#map = affine_map<(d0, d1) -> (0, 0)>
#map1 = affine_map<(d0, d1) -> (0, 0, 0)>
module attributes {stable_mosaic.version = 14 : i64} {
  func.func @_scatter_kernel(%arg0: i32, %arg1: i32, %arg2: memref<10000x128xf32, #tpu.memory_space<hbm>>, %arg3: memref<32x125x80xi32, #tpu.memory_space<hbm>>, %arg4: memref<2x10000x128xf32, #tpu.memory_space<hbm>>, %arg5: memref<125x80xi32, #tpu.memory_space<vmem>>, %arg6: memref<80xi32, #tpu.memory_space<vmem>>, %arg7: memref<80xi32, #tpu.memory_space<vmem>>, %arg8: memref<80xi32, #tpu.memory_space<vmem>>, %arg9: memref<80xi32, #tpu.memory_space<vmem>>, %arg10: memref<80x128xf32, #tpu.memory_space<vmem>>, %arg11: memref<80x128xf32, #tpu.memory_space<vmem>>, %arg12: memref<10240x128xf32, #tpu.memory_space<vmem_shared>>, %arg13: memref<!tpu.dma_semaphore, #tpu.memory_space<semaphore_mem>>) attributes {dimension_semantics = [#tpu.dimension_semantics<core_parallel>, #tpu.dimension_semantics<subcore_parallel>], iteration_bounds = array<i64: 2, 16>, scalar_prefetch = 0 : i64, scratch_operands = 9 : i64, tpu.core_type = #tpu.core_type<sc_vector_subcore>, window_params = [{transform_indices = #map}, {transform_indices = #map1}, {transform_indices = #map1}]} {
    %mul3A = arith.constant 16 : i32
    %mul3A_0 = arith.muli %arg0, %mul3A : i32
    %add3A = arith.addi %mul3A_0, %arg1 : i32
    %scan3A = arith.constant 0 : i32
    %scan3A_1 = arith.constant 0 : i32
    %scan3A_2 = arith.constant 640 : i32
    %scan3A_3 = arith.addi %scan3A_1, %scan3A_2 : i32
    %scan3A_4 = arith.constant 1 : i32
    %scan3A_5 = scf.for %scan3A_28 = %scan3A_1 to %scan3A_3 step %scan3A_4 iter_args(%scan3A_29 = %scan3A) -> (i32)  : i32 {
      %broadcast_in_dim3A = arith.constant 0.000000e+00 : f32
      %broadcast_in_dim3A_30 = vector.broadcast %broadcast_in_dim3A : f32 to vector<16xf32>
      %jit3A = arith.constant 8 : i32
      %div3A = arith.divsi %scan3A_28, %jit3A : i32
      %sign3A = arith.constant 0 : i32
      %sign3A_31 = arith.cmpi sgt, %scan3A_28, %sign3A : i32
      %sign3A_32 = arith.extui %sign3A_31 : i1 to i32
      %sign3A_33 = arith.constant 0 : i32
      %sign3A_34 = arith.cmpi slt, %scan3A_28, %sign3A_33 : i32
      %sign3A_35 = arith.extui %sign3A_34 : i1 to i32
      %sign3A_36 = arith.subi %sign3A_32, %sign3A_35 : i32
      %sign3A_37 = arith.constant 0 : i32
      %sign3A_38 = arith.cmpi sgt, %jit3A, %sign3A_37 : i32
      %sign3A_39 = arith.extui %sign3A_38 : i1 to i32
      %sign3A_40 = arith.constant 0 : i32
      %sign3A_41 = arith.cmpi slt, %jit3A, %sign3A_40 : i32
      %sign3A_42 = arith.extui %sign3A_41 : i1 to i32
      %sign3A_43 = arith.subi %sign3A_39, %sign3A_42 : i32
      %ne3A = arith.cmpi ne, %sign3A_36, %sign3A_43 : i32
      %rem3A = arith.remsi %scan3A_28, %jit3A : i32
      %ne3A_44 = arith.constant 0 : i32
      %ne3A_45 = arith.cmpi ne, %rem3A, %ne3A_44 : i32
      %and3A = arith.andi %ne3A, %ne3A_45 : i1
      %sub3A = arith.constant 1 : i32
      %sub3A_46 = arith.subi %div3A, %sub3A : i32
      %select_n3A = arith.select %and3A, %sub3A_46, %div3A : i32
      %jit3A_47 = arith.constant 8 : i32
      %eq3A_48 = arith.constant 0 : i32
      %eq3A_49 = arith.cmpi eq, %jit3A_47, %eq3A_48 : i32
      %jit3A_50 = arith.constant 1 : i32
      %select_n3A_51 = arith.select %eq3A_49, %jit3A_50, %jit3A_47 : i32
      %rem3A_52 = arith.remsi %scan3A_28, %select_n3A_51 : i32
      %ne3A_53 = arith.constant 0 : i32
      %ne3A_54 = arith.cmpi ne, %rem3A_52, %ne3A_53 : i32
      %lt3A = arith.constant 0 : i32
      %lt3A_55 = arith.cmpi slt, %rem3A_52, %lt3A : i32
      %lt3A_56 = arith.constant 0 : i32
      %lt3A_57 = arith.cmpi slt, %select_n3A_51, %lt3A_56 : i32
      %ne3A_58 = arith.xori %lt3A_55, %lt3A_57 : i1
      %and3A_59 = arith.andi %ne3A_58, %ne3A_54 : i1
      %add3A_60 = arith.addi %rem3A_52, %select_n3A_51 : i32
      %select_n3A_61 = arith.select %and3A_59, %add3A_60, %rem3A_52 : i32
      %mul3A_62 = arith.constant 16 : i32
      %mul3A_63 = arith.muli %select_n3A_61, %mul3A_62 : i32
      %swap3A = arith.index_cast %select_n3A : i32 to index
      %swap3A_64 = arith.index_cast %mul3A_63 : i32 to index
      %swap3A_65 = tpu.vector_load %arg10[%swap3A, %swap3A_64] {strides = array<i32>} : memref<80x128xf32, #tpu.memory_space<vmem>>, vector<1x16xf32>,
      %swap3A_66 = vector.shape_cast %swap3A_65 : vector<1x16xf32> to vector<16xf32>
      %swap3A_67 = vector.shape_cast %broadcast_in_dim3A_30 : vector<16xf32> to vector<1x16xf32>
      tpu.vector_store %arg10[%swap3A, %swap3A_64], %swap3A_67 {strides = array<i32>} : memref<80x128xf32, #tpu.memory_space<vmem>>, vector<1x16xf32>,
      %scan3A_68 = arith.constant 0 : i32
      scf.yield %scan3A_68 : i32
    }
    %scan3A_6 = arith.constant 640 : i32
    %scan3A_7 = arith.constant 0 : i32
    %scan3A_8 = arith.constant 0 : i32
    %scan3A_9 = arith.constant 8 : i32
    %scan3A_10 = arith.addi %scan3A_8, %scan3A_9 : i32
    %scan3A_11 = arith.constant 1 : i32
    %scan3A_12 = scf.for %scan3A_28 = %scan3A_8 to %scan3A_10 step %scan3A_11 iter_args(%scan3A_29 = %scan3A_7) -> (i32)  : i32 {
      %mul3A_30 = arith.constant 640 : i32
      %mul3A_31 = arith.muli %arg1, %mul3A_30 : i32
      %mul3A_32 = arith.constant 80 : i32
      %mul3A_33 = arith.muli %scan3A_28, %mul3A_32 : i32
      %add3A_34 = arith.addi %mul3A_31, %mul3A_33 : i32
      "tpu.region"() ({
        %run_scoped3A = tpu.sem_alloc : memref<!tpu.dma_semaphore, #tpu.memory_space<semaphore_mem>>
        %dma_start3A = arith.constant 0 : i32
        %dma_start3A_36 = tpu.memref_slice %arg12[%add3A_34, %dma_start3A] : memref<10240x128xf32, #tpu.memory_space<vmem_shared>> -> memref<80x128xf32, #tpu.memory_space<vmem_shared>>
        %dma_start3A_37 = arith.constant 0 : i32
        %dma_start3A_38 = tpu.memref_slice %arg12[%add3A_34, %dma_start3A_37] : memref<10240x128xf32, #tpu.memory_space<vmem_shared>> -> memref<80x128xf32, #tpu.memory_space<vmem_shared>>
        tpu.enqueue_dma source(%arg10 : memref<80x128xf32, #tpu.memory_space<vmem>>) target(%dma_start3A_38 : memref<80x128xf32, #tpu.memory_space<vmem_shared>>) target_semaphore(%run_scoped3A : memref<!tpu.dma_semaphore, #tpu.memory_space<semaphore_mem>>)
        %dma_wait3A = arith.constant 0 : i32
        %dma_wait3A_39 = tpu.memref_slice %arg12[%add3A_34, %dma_wait3A] : memref<10240x128xf32, #tpu.memory_space<vmem_shared>> -> memref<80x128xf32, #tpu.memory_space<vmem_shared>>
        %dma_wait3A_40 = arith.constant 0 : i32
        %dma_wait3A_41 = tpu.memref_slice %arg12[%add3A_34, %dma_wait3A_40] : memref<10240x128xf32, #tpu.memory_space<vmem_shared>> -> memref<80x128xf32, #tpu.memory_space<vmem_shared>>
        tpu.wait_dma2 semaphore(%run_scoped3A : memref<!tpu.dma_semaphore, #tpu.memory_space<semaphore_mem>>) src(%arg10 : memref<80x128xf32, #tpu.memory_space<vmem>>) dst(%dma_wait3A_41 : memref<80x128xf32, #tpu.memory_space<vmem_shared>>)
        tpu.yield
      }) : () -> ()
      %scan3A_35 = arith.constant 0 : i32
      scf.yield %scan3A_35 : i32
    }
    %scan3A_13 = arith.constant 8 : i32
    "tpu.region"() ({
      %run_scoped3A = tpu.sem_alloc : memref<!tpu.dma_semaphore, #tpu.memory_space<semaphore_mem>>
      %dma_start3A = arith.constant 0 : i32
      %dma_start3A_28 = arith.constant 0 : i32
      %dma_start3A_29 = tpu.memref_slice %arg3[%add3A, %dma_start3A, %dma_start3A_28] : memref<32x125x80xi32, #tpu.memory_space<hbm>> -> memref<1x125x80xi32, #tpu.memory_space<hbm>>
      %dma_start3A_30 = tpu.memref_squeeze %dma_start3A_29 : memref<1x125x80xi32, #tpu.memory_space<hbm>> -> memref<125x80xi32, #tpu.memory_space<hbm>>
      %dma_start3A_31 = arith.constant 0 : i32
      %dma_start3A_32 = arith.constant 0 : i32
      %dma_start3A_33 = tpu.memref_slice %arg3[%add3A, %dma_start3A_31, %dma_start3A_32] : memref<32x125x80xi32, #tpu.memory_space<hbm>> -> memref<1x125x80xi32, #tpu.memory_space<hbm>>
      %dma_start3A_34 = tpu.memref_squeeze %dma_start3A_33 : memref<1x125x80xi32, #tpu.memory_space<hbm>> -> memref<125x80xi32, #tpu.memory_space<hbm>>
      tpu.enqueue_dma source(%dma_start3A_34 : memref<125x80xi32, #tpu.memory_space<hbm>>) target(%arg5 : memref<125x80xi32, #tpu.memory_space<vmem>>) target_semaphore(%run_scoped3A : memref<!tpu.dma_semaphore, #tpu.memory_space<semaphore_mem>>)
      %dma_wait3A = arith.constant 0 : i32
      %dma_wait3A_35 = arith.constant 0 : i32
      %dma_wait3A_36 = tpu.memref_slice %arg3[%add3A, %dma_wait3A, %dma_wait3A_35] : memref<32x125x80xi32, #tpu.memory_space<hbm>> -> memref<1x125x80xi32, #tpu.memory_space<hbm>>
      %dma_wait3A_37 = tpu.memref_squeeze %dma_wait3A_36 : memref<1x125x80xi32, #tpu.memory_space<hbm>> -> memref<125x80xi32, #tpu.memory_space<hbm>>
      %dma_wait3A_38 = arith.constant 0 : i32
      %dma_wait3A_39 = arith.constant 0 : i32
      %dma_wait3A_40 = tpu.memref_slice %arg3[%add3A, %dma_wait3A_38, %dma_wait3A_39] : memref<32x125x80xi32, #tpu.memory_space<hbm>> -> memref<1x125x80xi32, #tpu.memory_space<hbm>>
      %dma_wait3A_41 = tpu.memref_squeeze %dma_wait3A_40 : memref<1x125x80xi32, #tpu.memory_space<hbm>> -> memref<125x80xi32, #tpu.memory_space<hbm>>
      tpu.wait_dma2 semaphore(%run_scoped3A : memref<!tpu.dma_semaphore, #tpu.memory_space<semaphore_mem>>) src(%dma_wait3A_41 : memref<125x80xi32, #tpu.memory_space<hbm>>) dst(%arg5 : memref<125x80xi32, #tpu.memory_space<vmem>>)
      tpu.yield
    }) : () -> ()
    %barrier3A = arith.constant 0 : index
    tpu.barrier barrier_id(%barrier3A)
    %scan3A_14 = arith.constant 0 : i32
    %scan3A_15 = arith.constant 0 : i32
    %scan3A_16 = arith.constant 125 : i32
    %scan3A_17 = arith.addi %scan3A_15, %scan3A_16 : i32
    %scan3A_18 = arith.constant 1 : i32
    %scan3A_19 = scf.for %scan3A_28 = %scan3A_15 to %scan3A_17 step %scan3A_18 iter_args(%scan3A_29 = %scan3A_14) -> (i32)  : i32 {
      %get3A = arith.index_cast %scan3A_28 : i32 to index
      %get3A_30 = arith.constant 0 : index
      %get3A_31 = tpu.vector_load %arg5[%get3A, %get3A_30] {strides = array<i32>} : memref<125x80xi32, #tpu.memory_space<vmem>>, vector<1x16xi32>,
      %get3A_32 = vector.shape_cast %get3A_31 : vector<1x16xi32> to vector<16xi32>
      %and3A = arith.constant 65535 : i32
      %and3A_33 = vector.broadcast %and3A : i32 to vector<16xi32>
      %and3A_34 = arith.andi %get3A_32, %and3A_33 : vector<16xi32>
      %swap3A = arith.constant 0 : index
      %swap3A_35 = tpu.vector_load %arg6[%swap3A] {strides = array<i32>} : memref<80xi32, #tpu.memory_space<vmem>>, vector<16xi32>,
      %swap3A_36 = vector.shape_cast %swap3A_35 : vector<16xi32> to vector<16xi32>
      %swap3A_37 = vector.shape_cast %and3A_34 : vector<16xi32> to vector<16xi32>
      tpu.vector_store %arg6[%swap3A], %swap3A_37 {strides = array<i32>} : memref<80xi32, #tpu.memory_space<vmem>>, vector<16xi32>,
      %shift_right_logical3A = arith.constant 16 : i32
      %shift_right_logical3A_38 = vector.broadcast %shift_right_logical3A : i32 to vector<16xi32>
      %shift_right_logical3A_39 = arith.shrui %get3A_32, %shift_right_logical3A_38 : vector<16xi32>
      %swap3A_40 = arith.constant 0 : index
      %swap3A_41 = tpu.vector_load %arg7[%swap3A_40] {strides = array<i32>} : memref<80xi32, #tpu.memory_space<vmem>>, vector<16xi32>,
      %swap3A_42 = vector.shape_cast %swap3A_41 : vector<16xi32> to vector<16xi32>
      %swap3A_43 = vector.shape_cast %shift_right_logical3A_39 : vector<16xi32> to vector<16xi32>
      tpu.vector_store %arg7[%swap3A_40], %swap3A_43 {strides = array<i32>} : memref<80xi32, #tpu.memory_space<vmem>>, vector<16xi32>,
      %get3A_44 = arith.index_cast %scan3A_28 : i32 to index
      %get3A_45 = arith.constant 16 : index
      %get3A_46 = tpu.vector_load %arg5[%get3A_44, %get3A_45] {strides = array<i32>} : memref<125x80xi32, #tpu.memory_space<vmem>>, vector<1x16xi32>,
      %get3A_47 = vector.shape_cast %get3A_46 : vector<1x16xi32> to vector<16xi32>
      %and3A_48 = arith.constant 65535 : i32
      %and3A_49 = vector.broadcast %and3A_48 : i32 to vector<16xi32>
      %and3A_50 = arith.andi %get3A_47, %and3A_49 : vector<16xi32>
      %swap3A_51 = arith.constant 16 : index
      %swap3A_52 = tpu.vector_load %arg6[%swap3A_51] {strides = array<i32>} : memref<80xi32, #tpu.memory_space<vmem>>, vector<16xi32>,
      %swap3A_53 = vector.shape_cast %swap3A_52 : vector<16xi32> to vector<16xi32>
      %swap3A_54 = vector.shape_cast %and3A_50 : vector<16xi32> to vector<16xi32>
      tpu.vector_store %arg6[%swap3A_51], %swap3A_54 {strides = array<i32>} : memref<80xi32, #tpu.memory_space<vmem>>, vector<16xi32>,
      %shift_right_logical3A_55 = arith.constant 16 : i32
      %shift_right_logical3A_56 = vector.broadcast %shift_right_logical3A_55 : i32 to vector<16xi32>
      %shift_right_logical3A_57 = arith.shrui %get3A_47, %shift_right_logical3A_56 : vector<16xi32>
      %swap3A_58 = arith.constant 16 : index
      %swap3A_59 = tpu.vector_load %arg7[%swap3A_58] {strides = array<i32>} : memref<80xi32, #tpu.memory_space<vmem>>, vector<16xi32>,
      %swap3A_60 = vector.shape_cast %swap3A_59 : vector<16xi32> to vector<16xi32>
      %swap3A_61 = vector.shape_cast %shift_right_logical3A_57 : vector<16xi32> to vector<16xi32>
      tpu.vector_store %arg7[%swap3A_58], %swap3A_61 {strides = array<i32>} : memref<80xi32, #tpu.memory_space<vmem>>, vector<16xi32>,
      %get3A_62 = arith.index_cast %scan3A_28 : i32 to index
      %get3A_63 = arith.constant 32 : index
      %get3A_64 = tpu.vector_load %arg5[%get3A_62, %get3A_63] {strides = array<i32>} : memref<125x80xi32, #tpu.memory_space<vmem>>, vector<1x16xi32>,
      %get3A_65 = vector.shape_cast %get3A_64 : vector<1x16xi32> to vector<16xi32>
      %and3A_66 = arith.constant 65535 : i32
      %and3A_67 = vector.broadcast %and3A_66 : i32 to vector<16xi32>
      %and3A_68 = arith.andi %get3A_65, %and3A_67 : vector<16xi32>
      %swap3A_69 = arith.constant 32 : index
      %swap3A_70 = tpu.vector_load %arg6[%swap3A_69] {strides = array<i32>} : memref<80xi32, #tpu.memory_space<vmem>>, vector<16xi32>,
      %swap3A_71 = vector.shape_cast %swap3A_70 : vector<16xi32> to vector<16xi32>
      %swap3A_72 = vector.shape_cast %and3A_68 : vector<16xi32> to vector<16xi32>
      tpu.vector_store %arg6[%swap3A_69], %swap3A_72 {strides = array<i32>} : memref<80xi32, #tpu.memory_space<vmem>>, vector<16xi32>,
      %shift_right_logical3A_73 = arith.constant 16 : i32
      %shift_right_logical3A_74 = vector.broadcast %shift_right_logical3A_73 : i32 to vector<16xi32>
      %shift_right_logical3A_75 = arith.shrui %get3A_65, %shift_right_logical3A_74 : vector<16xi32>
      %swap3A_76 = arith.constant 32 : index
      %swap3A_77 = tpu.vector_load %arg7[%swap3A_76] {strides = array<i32>} : memref<80xi32, #tpu.memory_space<vmem>>, vector<16xi32>,
      %swap3A_78 = vector.shape_cast %swap3A_77 : vector<16xi32> to vector<16xi32>
      %swap3A_79 = vector.shape_cast %shift_right_logical3A_75 : vector<16xi32> to vector<16xi32>
      tpu.vector_store %arg7[%swap3A_76], %swap3A_79 {strides = array<i32>} : memref<80xi32, #tpu.memory_space<vmem>>, vector<16xi32>,
      %get3A_80 = arith.index_cast %scan3A_28 : i32 to index
      %get3A_81 = arith.constant 48 : index
      %get3A_82 = tpu.vector_load %arg5[%get3A_80, %get3A_81] {strides = array<i32>} : memref<125x80xi32, #tpu.memory_space<vmem>>, vector<1x16xi32>,
      %get3A_83 = vector.shape_cast %get3A_82 : vector<1x16xi32> to vector<16xi32>
      %and3A_84 = arith.constant 65535 : i32
      %and3A_85 = vector.broadcast %and3A_84 : i32 to vector<16xi32>
      %and3A_86 = arith.andi %get3A_83, %and3A_85 : vector<16xi32>
      %swap3A_87 = arith.constant 48 : index
      %swap3A_88 = tpu.vector_load %arg6[%swap3A_87] {strides = array<i32>} : memref<80xi32, #tpu.memory_space<vmem>>, vector<16xi32>,
      %swap3A_89 = vector.shape_cast %swap3A_88 : vector<16xi32> to vector<16xi32>
      %swap3A_90 = vector.shape_cast %and3A_86 : vector<16xi32> to vector<16xi32>
      tpu.vector_store %arg6[%swap3A_87], %swap3A_90 {strides = array<i32>} : memref<80xi32, #tpu.memory_space<vmem>>, vector<16xi32>,
      %shift_right_logical3A_91 = arith.constant 16 : i32
      %shift_right_logical3A_92 = vector.broadcast %shift_right_logical3A_91 : i32 to vector<16xi32>
      %shift_right_logical3A_93 = arith.shrui %get3A_83, %shift_right_logical3A_92 : vector<16xi32>
      %swap3A_94 = arith.constant 48 : index
      %swap3A_95 = tpu.vector_load %arg7[%swap3A_94] {strides = array<i32>} : memref<80xi32, #tpu.memory_space<vmem>>, vector<16xi32>,
      %swap3A_96 = vector.shape_cast %swap3A_95 : vector<16xi32> to vector<16xi32>
      %swap3A_97 = vector.shape_cast %shift_right_logical3A_93 : vector<16xi32> to vector<16xi32>
      tpu.vector_store %arg7[%swap3A_94], %swap3A_97 {strides = array<i32>} : memref<80xi32, #tpu.memory_space<vmem>>, vector<16xi32>,
      %get3A_98 = arith.index_cast %scan3A_28 : i32 to index
      %get3A_99 = arith.constant 64 : index
      %get3A_100 = tpu.vector_load %arg5[%get3A_98, %get3A_99] {strides = array<i32>} : memref<125x80xi32, #tpu.memory_space<vmem>>, vector<1x16xi32>,
      %get3A_101 = vector.shape_cast %get3A_100 : vector<1x16xi32> to vector<16xi32>
      %and3A_102 = arith.constant 65535 : i32
      %and3A_103 = vector.broadcast %and3A_102 : i32 to vector<16xi32>
      %and3A_104 = arith.andi %get3A_101, %and3A_103 : vector<16xi32>
      %swap3A_105 = arith.constant 64 : index
      %swap3A_106 = tpu.vector_load %arg6[%swap3A_105] {strides = array<i32>} : memref<80xi32, #tpu.memory_space<vmem>>, vector<16xi32>,
      %swap3A_107 = vector.shape_cast %swap3A_106 : vector<16xi32> to vector<16xi32>
      %swap3A_108 = vector.shape_cast %and3A_104 : vector<16xi32> to vector<16xi32>
      tpu.vector_store %arg6[%swap3A_105], %swap3A_108 {strides = array<i32>} : memref<80xi32, #tpu.memory_space<vmem>>, vector<16xi32>,
      %shift_right_logical3A_109 = arith.constant 16 : i32
      %shift_right_logical3A_110 = vector.broadcast %shift_right_logical3A_109 : i32 to vector<16xi32>
      %shift_right_logical3A_111 = arith.shrui %get3A_101, %shift_right_logical3A_110 : vector<16xi32>
      %swap3A_112 = arith.constant 64 : index
      %swap3A_113 = tpu.vector_load %arg7[%swap3A_112] {strides = array<i32>} : memref<80xi32, #tpu.memory_space<vmem>>, vector<16xi32>,
      %swap3A_114 = vector.shape_cast %swap3A_113 : vector<16xi32> to vector<16xi32>
      %swap3A_115 = vector.shape_cast %shift_right_logical3A_111 : vector<16xi32> to vector<16xi32>
      tpu.vector_store %arg7[%swap3A_112], %swap3A_115 {strides = array<i32>} : memref<80xi32, #tpu.memory_space<vmem>>, vector<16xi32>,
      %dma_start3A = arith.constant 0 : i32
      %dma_start3A_116 = arith.constant 0 : i32
      %dma_start3A_117 = tpu.memref_slice %arg2[%dma_start3A, %dma_start3A_116] : memref<10000x128xf32, #tpu.memory_space<hbm>> -> memref<10000x128xf32, #tpu.memory_space<hbm>>
      tpu.enqueue_indirect_dma source(%dma_start3A_117 : memref<10000x128xf32, #tpu.memory_space<hbm>>) target(%arg10 : memref<80x128xf32, #tpu.memory_space<vmem>>) offsets(%arg6 : memref<80xi32, #tpu.memory_space<vmem>>) semaphore(%arg13 : memref<!tpu.dma_semaphore, #tpu.memory_space<semaphore_mem>>)
      %dma_wait3A = arith.constant 0 : i32
      %dma_wait3A_118 = arith.constant 0 : i32
      %dma_wait3A_119 = tpu.memref_slice %arg2[%dma_wait3A, %dma_wait3A_118] : memref<10000x128xf32, #tpu.memory_space<hbm>> -> memref<10000x128xf32, #tpu.memory_space<hbm>>
      tpu.wait_indirect_dma semaphore(%arg13 : memref<!tpu.dma_semaphore, #tpu.memory_space<semaphore_mem>>) src(%dma_wait3A_119 : memref<10000x128xf32, #tpu.memory_space<hbm>>) dst(%arg10 : memref<80x128xf32, #tpu.memory_space<vmem>>)
      "tpu.region"() ({
        %run_scoped3A = tpu.sem_alloc : memref<!tpu.dma_semaphore, #tpu.memory_space<semaphore_mem>>
        %dma_start3A_121 = arith.constant 0 : i32
        %dma_start3A_122 = arith.constant 0 : i32
        %dma_start3A_123 = tpu.memref_slice %arg12[%dma_start3A_121, %dma_start3A_122] : memref<10240x128xf32, #tpu.memory_space<vmem_shared>> -> memref<10240x128xf32, #tpu.memory_space<vmem_shared>>
        tpu.enqueue_indirect_dma source(%arg10 : memref<80x128xf32, #tpu.memory_space<vmem>>) target(%dma_start3A_123 : memref<10240x128xf32, #tpu.memory_space<vmem_shared>>) offsets(%arg7 : memref<80xi32, #tpu.memory_space<vmem>>) semaphore(%run_scoped3A : memref<!tpu.dma_semaphore, #tpu.memory_space<semaphore_mem>>) {add = true}
        %dma_wait3A_124 = arith.constant 0 : i32
        %dma_wait3A_125 = arith.constant 0 : i32
        %dma_wait3A_126 = tpu.memref_slice %arg12[%dma_wait3A_124, %dma_wait3A_125] : memref<10240x128xf32, #tpu.memory_space<vmem_shared>> -> memref<10240x128xf32, #tpu.memory_space<vmem_shared>>
        tpu.wait_indirect_dma semaphore(%run_scoped3A : memref<!tpu.dma_semaphore, #tpu.memory_space<semaphore_mem>>) src(%arg10 : memref<80x128xf32, #tpu.memory_space<vmem>>) dst(%dma_wait3A_126 : memref<10240x128xf32, #tpu.memory_space<vmem_shared>>)
        tpu.yield
      }) : () -> ()
      %scan3A_120 = arith.constant 0 : i32
      scf.yield %scan3A_120 : i32
    }
    %scan3A_20 = arith.constant 125 : i32
    %barrier3A_21 = arith.constant 0 : index
    tpu.barrier barrier_id(%barrier3A_21)
    %mul3A_22 = arith.constant 624 : i32
    %mul3A_23 = arith.muli %arg1, %mul3A_22 : i32
    %mul3A_24 = arith.constant 624 : i32
    %mul3A_25 = arith.muli %arg1, %mul3A_24 : i32
    "tpu.region"() ({
      %run_scoped3A = tpu.sem_alloc : memref<!tpu.dma_semaphore, #tpu.memory_space<semaphore_mem>>
      %dma_start3A = arith.constant 0 : i32
      %dma_start3A_28 = tpu.memref_slice %arg4[%arg0, %mul3A_25, %dma_start3A] : memref<2x10000x128xf32, #tpu.memory_space<hbm>> -> memref<1x624x128xf32, #tpu.memory_space<hbm>>
      %dma_start3A_29 = tpu.memref_squeeze %dma_start3A_28 : memref<1x624x128xf32, #tpu.memory_space<hbm>> -> memref<624x128xf32, #tpu.memory_space<hbm>>
      %dma_start3A_30 = arith.constant 0 : i32
      %dma_start3A_31 = tpu.memref_slice %arg12[%mul3A_23, %dma_start3A_30] : memref<10240x128xf32, #tpu.memory_space<vmem_shared>> -> memref<624x128xf32, #tpu.memory_space<vmem_shared>>
      tpu.enqueue_dma source(%dma_start3A_31 : memref<624x128xf32, #tpu.memory_space<vmem_shared>>) target(%dma_start3A_29 : memref<624x128xf32, #tpu.memory_space<hbm>>) target_semaphore(%run_scoped3A : memref<!tpu.dma_semaphore, #tpu.memory_space<semaphore_mem>>)
      %dma_wait3A = arith.constant 0 : i32
      %dma_wait3A_32 = tpu.memref_slice %arg4[%arg0, %mul3A_25, %dma_wait3A] : memref<2x10000x128xf32, #tpu.memory_space<hbm>> -> memref<1x624x128xf32, #tpu.memory_space<hbm>>
      %dma_wait3A_33 = tpu.memref_squeeze %dma_wait3A_32 : memref<1x624x128xf32, #tpu.memory_space<hbm>> -> memref<624x128xf32, #tpu.memory_space<hbm>>
      %dma_wait3A_34 = arith.constant 0 : i32
      %dma_wait3A_35 = tpu.memref_slice %arg12[%mul3A_23, %dma_wait3A_34] : memref<10240x128xf32, #tpu.memory_space<vmem_shared>> -> memref<624x128xf32, #tpu.memory_space<vmem_shared>>
      tpu.wait_dma2 semaphore(%run_scoped3A : memref<!tpu.dma_semaphore, #tpu.memory_space<semaphore_mem>>) src(%dma_wait3A_35 : memref<624x128xf32, #tpu.memory_space<vmem_shared>>) dst(%dma_wait3A_33 : memref<624x128xf32, #tpu.memory_space<hbm>>)
      tpu.yield
    }) : () -> ()
    %eq3A = arith.constant 0 : i32
    %eq3A_26 = arith.cmpi eq, %arg1, %eq3A : i32
    %convert_element_type3A = arith.extui %eq3A_26 : i1 to i32
    %cond3A = arith.constant 0 : i32
    %cond3A_27 = arith.cmpi ne, %convert_element_type3A, %cond3A : i32
    scf.if %cond3A_27 {
      "tpu.region"() ({
        %run_scoped3A = tpu.sem_alloc : memref<!tpu.dma_semaphore, #tpu.memory_space<semaphore_mem>>
        %dma_start3A = arith.constant 9984 : i32
        %dma_start3A_28 = arith.constant 0 : i32
        %dma_start3A_29 = tpu.memref_slice %arg4[%arg0, %dma_start3A, %dma_start3A_28] : memref<2x10000x128xf32, #tpu.memory_space<hbm>> -> memref<1x16x128xf32, #tpu.memory_space<hbm>>
        %dma_start3A_30 = tpu.memref_squeeze %dma_start3A_29 : memref<1x16x128xf32, #tpu.memory_space<hbm>> -> memref<16x128xf32, #tpu.memory_space<hbm>>
        %dma_start3A_31 = arith.constant 9984 : i32
        %dma_start3A_32 = arith.constant 0 : i32
        %dma_start3A_33 = tpu.memref_slice %arg12[%dma_start3A_31, %dma_start3A_32] : memref<10240x128xf32, #tpu.memory_space<vmem_shared>> -> memref<16x128xf32, #tpu.memory_space<vmem_shared>>
        tpu.enqueue_dma source(%dma_start3A_33 : memref<16x128xf32, #tpu.memory_space<vmem_shared>>) target(%dma_start3A_30 : memref<16x128xf32, #tpu.memory_space<hbm>>) target_semaphore(%run_scoped3A : memref<!tpu.dma_semaphore, #tpu.memory_space<semaphore_mem>>)
        %dma_wait3A = arith.constant 9984 : i32
        %dma_wait3A_34 = arith.constant 0 : i32
        %dma_wait3A_35 = tpu.memref_slice %arg4[%arg0, %dma_wait3A, %dma_wait3A_34] : memref<2x10000x128xf32, #tpu.memory_space<hbm>> -> memref<1x16x128xf32, #tpu.memory_space<hbm>>
        %dma_wait3A_36 = tpu.memref_squeeze %dma_wait3A_35 : memref<1x16x128xf32, #tpu.memory_space<hbm>> -> memref<16x128xf32, #tpu.memory_space<hbm>>
        %dma_wait3A_37 = arith.constant 9984 : i32
        %dma_wait3A_38 = arith.constant 0 : i32
        %dma_wait3A_39 = tpu.memref_slice %arg12[%dma_wait3A_37, %dma_wait3A_38] : memref<10240x128xf32, #tpu.memory_space<vmem_shared>> -> memref<16x128xf32, #tpu.memory_space<vmem_shared>>
        tpu.wait_dma2 semaphore(%run_scoped3A : memref<!tpu.dma_semaphore, #tpu.memory_space<semaphore_mem>>) src(%dma_wait3A_39 : memref<16x128xf32, #tpu.memory_space<vmem_shared>>) dst(%dma_wait3A_36 : memref<16x128xf32, #tpu.memory_space<hbm>>)
        tpu.yield
      }) : () -> ()
    } else {
    }
    return
  }
}

#map = affine_map<(d0, d1) -> (0, 0)>
#map1 = affine_map<(d0, d1) -> (0, 0, 0)>
module attributes {stable_mosaic.version = 14 : i64} {
  func.func @_scatter_kernel(%arg0: i32, %arg1: i32, %arg2: memref<10000x128xf32, #tpu.memory_space<hbm>>, %arg3: memref<32x125x80xi32, #tpu.memory_space<hbm>>, %arg4: memref<2x10000x128xf32, #tpu.memory_space<hbm>>, %arg5: memref<125x80xi32, #tpu.memory_space<vmem>>, %arg6: memref<80xi32, #tpu.memory_space<vmem>>, %arg7: memref<80xi32, #tpu.memory_space<vmem>>, %arg8: memref<80xi32, #tpu.memory_space<vmem>>, %arg9: memref<80xi32, #tpu.memory_space<vmem>>, %arg10: memref<80x128xf32, #tpu.memory_space<vmem>>, %arg11: memref<80x128xf32, #tpu.memory_space<vmem>>, %arg12: memref<10240x128xf32, #tpu.memory_space<vmem_shared>>, %arg13: memref<!tpu.dma_semaphore, #tpu.memory_space<semaphore_mem>>) attributes {dimension_semantics = [#tpu.dimension_semantics<core_parallel>, #tpu.dimension_semantics<subcore_parallel>], iteration_bounds = array<i64: 2, 16>, scalar_prefetch = 0 : i64, scratch_operands = 9 : i64, tpu.core_type = #tpu.core_type<sc_vector_subcore>, window_params = [{transform_indices = #map}, {transform_indices = #map1}, {transform_indices = #map1}]} {
    %mul3A = arith.constant 16 : i32
    %mul3A_0 = arith.muli %arg0, %mul3A : i32
    %add3A = arith.addi %mul3A_0, %arg1 : i32
    %scan3A = arith.constant 0 : i32
    %scan3A_1 = arith.constant 0 : i32
    %scan3A_2 = arith.constant 640 : i32
    %scan3A_3 = arith.addi %scan3A_1, %scan3A_2 : i32
    %scan3A_4 = arith.constant 1 : i32
    %scan3A_5 = scf.for %scan3A_28 = %scan3A_1 to %scan3A_3 step %scan3A_4 iter_args(%scan3A_29 = %scan3A) -> (i32)  : i32 {
      %broadcast_in_dim3A = arith.constant 0.000000e+00 : f32
      %broadcast_in_dim3A_30 = vector.broadcast %broadcast_in_dim3A : f32 to vector<16xf32>
      %jit3A = arith.constant 8 : i32
      %div3A = arith.divsi %scan3A_28, %jit3A : i32
      %sign3A = arith.constant 0 : i32
      %sign3A_31 = arith.cmpi sgt, %scan3A_28, %sign3A : i32
      %sign3A_32 = arith.extui %sign3A_31 : i1 to i32
      %sign3A_33 = arith.constant 0 : i32
      %sign3A_34 = arith.cmpi slt, %scan3A_28, %sign3A_33 : i32
      %sign3A_35 = arith.extui %sign3A_34 : i1 to i32
      %sign3A_36 = arith.subi %sign3A_32, %sign3A_35 : i32
      %sign3A_37 = arith.constant 0 : i32
      %sign3A_38 = arith.cmpi sgt, %jit3A, %sign3A_37 : i32
      %sign3A_39 = arith.extui %sign3A_38 : i1 to i32
      %sign3A_40 = arith.constant 0 : i32
      %sign3A_41 = arith.cmpi slt, %jit3A, %sign3A_40 : i32
      %sign3A_42 = arith.extui %sign3A_41 : i1 to i32
      %sign3A_43 = arith.subi %sign3A_39, %sign3A_42 : i32
      %ne3A = arith.cmpi ne, %sign3A_36, %sign3A_43 : i32
      %rem3A = arith.remsi %scan3A_28, %jit3A : i32
      %ne3A_44 = arith.constant 0 : i32
      %ne3A_45 = arith.cmpi ne, %rem3A, %ne3A_44 : i32
      %and3A = arith.andi %ne3A, %ne3A_45 : i1
      %sub3A = arith.constant 1 : i32
      %sub3A_46 = arith.subi %div3A, %sub3A : i32
      %select_n3A = arith.select %and3A, %sub3A_46, %div3A : i32
      %jit3A_47 = arith.constant 8 : i32
      %eq3A_48 = arith.constant 0 : i32
      %eq3A_49 = arith.cmpi eq, %jit3A_47, %eq3A_48 : i32
      %jit3A_50 = arith.constant 1 : i32
      %select_n3A_51 = arith.select %eq3A_49, %jit3A_50, %jit3A_47 : i32
      %rem3A_52 = arith.remsi %scan3A_28, %select_n3A_51 : i32
      %ne3A_53 = arith.constant 0 : i32
      %ne3A_54 = arith.cmpi ne, %rem3A_52, %ne3A_53 : i32
      %lt3A = arith.constant 0 : i32
      %lt3A_55 = arith.cmpi slt, %rem3A_52, %lt3A : i32
      %lt3A_56 = arith.constant 0 : i32
      %lt3A_57 = arith.cmpi slt, %select_n3A_51, %lt3A_56 : i32
      %ne3A_58 = arith.xori %lt3A_55, %lt3A_57 : i1
      %and3A_59 = arith.andi %ne3A_58, %ne3A_54 : i1
      %add3A_60 = arith.addi %rem3A_52, %select_n3A_51 : i32
      %select_n3A_61 = arith.select %and3A_59, %add3A_60, %rem3A_52 : i32
      %mul3A_62 = arith.constant 16 : i32
      %mul3A_63 = arith.muli %select_n3A_61, %mul3A_62 : i32
      %swap3A = arith.index_cast %select_n3A : i32 to index
      %swap3A_64 = arith.index_cast %mul3A_63 : i32 to index
      %swap3A_65 = tpu.vector_load %arg10[%swap3A, %swap3A_64] {strides = array<i32>} : memref<80x128xf32, #tpu.memory_space<vmem>>, vector<1x16xf32>,
      %swap3A_66 = vector.shape_cast %swap3A_65 : vector<1x16xf32> to vector<16xf32>
      %swap3A_67 = vector.shape_cast %broadcast_in_dim3A_30 : vector<16xf32> to vector<1x16xf32>
      tpu.vector_store %arg10[%swap3A, %swap3A_64], %swap3A_67 {strides = array<i32>} : memref<80x128xf32, #tpu.memory_space<vmem>>, vector<1x16xf32>,
      %scan3A_68 = arith.constant 0 : i32
      scf.yield %scan3A_68 : i32
    }
    %scan3A_6 = arith.constant 640 : i32
    %scan3A_7 = arith.constant 0 : i32
    %scan3A_8 = arith.constant 0 : i32
    %scan3A_9 = arith.constant 8 : i32
    %scan3A_10 = arith.addi %scan3A_8, %scan3A_9 : i32
    %scan3A_11 = arith.constant 1 : i32
    %scan3A_12 = scf.for %scan3A_28 = %scan3A_8 to %scan3A_10 step %scan3A_11 iter_args(%scan3A_29 = %scan3A_7) -> (i32)  : i32 {
      %mul3A_30 = arith.constant 640 : i32
      %mul3A_31 = arith.muli %arg1, %mul3A_30 : i32
      %mul3A_32 = arith.constant 80 : i32
      %mul3A_33 = arith.muli %scan3A_28, %mul3A_32 : i32
      %add3A_34 = arith.addi %mul3A_31, %mul3A_33 : i32
      "tpu.region"() ({
        %run_scoped3A = tpu.sem_alloc : memref<!tpu.dma_semaphore, #tpu.memory_space<semaphore_mem>>
        %dma_start3A = arith.constant 0 : i32
        %dma_start3A_36 = tpu.memref_slice %arg12[%add3A_34, %dma_start3A] : memref<10240x128xf32, #tpu.memory_space<vmem_shared>> -> memref<80x128xf32, #tpu.memory_space<vmem_shared>>
        %dma_start3A_37 = arith.constant 0 : i32
        %dma_start3A_38 = tpu.memref_slice %arg12[%add3A_34, %dma_start3A_37] : memref<10240x128xf32, #tpu.memory_space<vmem_shared>> -> memref<80x128xf32, #tpu.memory_space<vmem_shared>>
        tpu.enqueue_dma source(%arg10 : memref<80x128xf32, #tpu.memory_space<vmem>>) target(%dma_start3A_38 : memref<80x128xf32, #tpu.memory_space<vmem_shared>>) target_semaphore(%run_scoped3A : memref<!tpu.dma_semaphore, #tpu.memory_space<semaphore_mem>>)
        %dma_wait3A = arith.constant 0 : i32
        %dma_wait3A_39 = tpu.memref_slice %arg12[%add3A_34, %dma_wait3A] : memref<10240x128xf32, #tpu.memory_space<vmem_shared>> -> memref<80x128xf32, #tpu.memory_space<vmem_shared>>
        %dma_wait3A_40 = arith.constant 0 : i32
        %dma_wait3A_41 = tpu.memref_slice %arg12[%add3A_34, %dma_wait3A_40] : memref<10240x128xf32, #tpu.memory_space<vmem_shared>> -> memref<80x128xf32, #tpu.memory_space<vmem_shared>>
        tpu.wait_dma2 semaphore(%run_scoped3A : memref<!tpu.dma_semaphore, #tpu.memory_space<semaphore_mem>>) src(%arg10 : memref<80x128xf32, #tpu.memory_space<vmem>>) dst(%dma_wait3A_41 : memref<80x128xf32, #tpu.memory_space<vmem_shared>>)
        tpu.yield
      }) : () -> ()
      %scan3A_35 = arith.constant 0 : i32
      scf.yield %scan3A_35 : i32
    }
    %scan3A_13 = arith.constant 8 : i32
    "tpu.region"() ({
      %run_scoped3A = tpu.sem_alloc : memref<!tpu.dma_semaphore, #tpu.memory_space<semaphore_mem>>
      %dma_start3A = arith.constant 0 : i32
      %dma_start3A_28 = arith.constant 0 : i32
      %dma_start3A_29 = tpu.memref_slice %arg3[%add3A, %dma_start3A, %dma_start3A_28] : memref<32x125x80xi32, #tpu.memory_space<hbm>> -> memref<1x125x80xi32, #tpu.memory_space<hbm>>
      %dma_start3A_30 = tpu.memref_squeeze %dma_start3A_29 : memref<1x125x80xi32, #tpu.memory_space<hbm>> -> memref<125x80xi32, #tpu.memory_space<hbm>>
      %dma_start3A_31 = arith.constant 0 : i32
      %dma_start3A_32 = arith.constant 0 : i32
      %dma_start3A_33 = tpu.memref_slice %arg3[%add3A, %dma_start3A_31, %dma_start3A_32] : memref<32x125x80xi32, #tpu.memory_space<hbm>> -> memref<1x125x80xi32, #tpu.memory_space<hbm>>
      %dma_start3A_34 = tpu.memref_squeeze %dma_start3A_33 : memref<1x125x80xi32, #tpu.memory_space<hbm>> -> memref<125x80xi32, #tpu.memory_space<hbm>>
      tpu.enqueue_dma source(%dma_start3A_34 : memref<125x80xi32, #tpu.memory_space<hbm>>) target(%arg5 : memref<125x80xi32, #tpu.memory_space<vmem>>) target_semaphore(%run_scoped3A : memref<!tpu.dma_semaphore, #tpu.memory_space<semaphore_mem>>)
      %dma_wait3A = arith.constant 0 : i32
      %dma_wait3A_35 = arith.constant 0 : i32
      %dma_wait3A_36 = tpu.memref_slice %arg3[%add3A, %dma_wait3A, %dma_wait3A_35] : memref<32x125x80xi32, #tpu.memory_space<hbm>> -> memref<1x125x80xi32, #tpu.memory_space<hbm>>
      %dma_wait3A_37 = tpu.memref_squeeze %dma_wait3A_36 : memref<1x125x80xi32, #tpu.memory_space<hbm>> -> memref<125x80xi32, #tpu.memory_space<hbm>>
      %dma_wait3A_38 = arith.constant 0 : i32
      %dma_wait3A_39 = arith.constant 0 : i32
      %dma_wait3A_40 = tpu.memref_slice %arg3[%add3A, %dma_wait3A_38, %dma_wait3A_39] : memref<32x125x80xi32, #tpu.memory_space<hbm>> -> memref<1x125x80xi32, #tpu.memory_space<hbm>>
      %dma_wait3A_41 = tpu.memref_squeeze %dma_wait3A_40 : memref<1x125x80xi32, #tpu.memory_space<hbm>> -> memref<125x80xi32, #tpu.memory_space<hbm>>
      tpu.wait_dma2 semaphore(%run_scoped3A : memref<!tpu.dma_semaphore, #tpu.memory_space<semaphore_mem>>) src(%dma_wait3A_41 : memref<125x80xi32, #tpu.memory_space<hbm>>) dst(%arg5 : memref<125x80xi32, #tpu.memory_space<vmem>>)
      tpu.yield
    }) : () -> ()
    %barrier3A = arith.constant 0 : index
    tpu.barrier barrier_id(%barrier3A)
    %scan3A_14 = arith.constant 0 : i32
    %scan3A_15 = arith.constant 0 : i32
    %scan3A_16 = arith.constant 125 : i32
    %scan3A_17 = arith.addi %scan3A_15, %scan3A_16 : i32
    %scan3A_18 = arith.constant 1 : i32
    %scan3A_19 = scf.for %scan3A_28 = %scan3A_15 to %scan3A_17 step %scan3A_18 iter_args(%scan3A_29 = %scan3A_14) -> (i32)  : i32 {
      %get3A = arith.index_cast %scan3A_28 : i32 to index
      %get3A_30 = arith.constant 0 : index
      %get3A_31 = tpu.vector_load %arg5[%get3A, %get3A_30] {strides = array<i32>} : memref<125x80xi32, #tpu.memory_space<vmem>>, vector<1x16xi32>,
      %get3A_32 = vector.shape_cast %get3A_31 : vector<1x16xi32> to vector<16xi32>
      %and3A = arith.constant 65535 : i32
      %and3A_33 = vector.broadcast %and3A : i32 to vector<16xi32>
      %and3A_34 = arith.andi %get3A_32, %and3A_33 : vector<16xi32>
      %swap3A = arith.constant 0 : index
      %swap3A_35 = tpu.vector_load %arg6[%swap3A] {strides = array<i32>} : memref<80xi32, #tpu.memory_space<vmem>>, vector<16xi32>,
      %swap3A_36 = vector.shape_cast %swap3A_35 : vector<16xi32> to vector<16xi32>
      %swap3A_37 = vector.shape_cast %and3A_34 : vector<16xi32> to vector<16xi32>
      tpu.vector_store %arg6[%swap3A], %swap3A_37 {strides = array<i32>} : memref<80xi32, #tpu.memory_space<vmem>>, vector<16xi32>,
      %shift_right_logical3A = arith.constant 16 : i32
      %shift_right_logical3A_38 = vector.broadcast %shift_right_logical3A : i32 to vector<16xi32>
      %shift_right_logical3A_39 = arith.shrui %get3A_32, %shift_right_logical3A_38 : vector<16xi32>
      %swap3A_40 = arith.constant 0 : index
      %swap3A_41 = tpu.vector_load %arg7[%swap3A_40] {strides = array<i32>} : memref<80xi32, #tpu.memory_space<vmem>>, vector<16xi32>,
      %swap3A_42 = vector.shape_cast %swap3A_41 : vector<16xi32> to vector<16xi32>
      %swap3A_43 = vector.shape_cast %shift_right_logical3A_39 : vector<16xi32> to vector<16xi32>
      tpu.vector_store %arg7[%swap3A_40], %swap3A_43 {strides = array<i32>} : memref<80xi32, #tpu.memory_space<vmem>>, vector<16xi32>,
      %get3A_44 = arith.index_cast %scan3A_28 : i32 to index
      %get3A_45 = arith.constant 16 : index
      %get3A_46 = tpu.vector_load %arg5[%get3A_44, %get3A_45] {strides = array<i32>} : memref<125x80xi32, #tpu.memory_space<vmem>>, vector<1x16xi32>,
      %get3A_47 = vector.shape_cast %get3A_46 : vector<1x16xi32> to vector<16xi32>
      %and3A_48 = arith.constant 65535 : i32
      %and3A_49 = vector.broadcast %and3A_48 : i32 to vector<16xi32>
      %and3A_50 = arith.andi %get3A_47, %and3A_49 : vector<16xi32>
      %swap3A_51 = arith.constant 16 : index
      %swap3A_52 = tpu.vector_load %arg6[%swap3A_51] {strides = array<i32>} : memref<80xi32, #tpu.memory_space<vmem>>, vector<16xi32>,
      %swap3A_53 = vector.shape_cast %swap3A_52 : vector<16xi32> to vector<16xi32>
      %swap3A_54 = vector.shape_cast %and3A_50 : vector<16xi32> to vector<16xi32>
      tpu.vector_store %arg6[%swap3A_51], %swap3A_54 {strides = array<i32>} : memref<80xi32, #tpu.memory_space<vmem>>, vector<16xi32>,
      %shift_right_logical3A_55 = arith.constant 16 : i32
      %shift_right_logical3A_56 = vector.broadcast %shift_right_logical3A_55 : i32 to vector<16xi32>
      %shift_right_logical3A_57 = arith.shrui %get3A_47, %shift_right_logical3A_56 : vector<16xi32>
      %swap3A_58 = arith.constant 16 : index
      %swap3A_59 = tpu.vector_load %arg7[%swap3A_58] {strides = array<i32>} : memref<80xi32, #tpu.memory_space<vmem>>, vector<16xi32>,
      %swap3A_60 = vector.shape_cast %swap3A_59 : vector<16xi32> to vector<16xi32>
      %swap3A_61 = vector.shape_cast %shift_right_logical3A_57 : vector<16xi32> to vector<16xi32>
      tpu.vector_store %arg7[%swap3A_58], %swap3A_61 {strides = array<i32>} : memref<80xi32, #tpu.memory_space<vmem>>, vector<16xi32>,
      %get3A_62 = arith.index_cast %scan3A_28 : i32 to index
      %get3A_63 = arith.constant 32 : index
      %get3A_64 = tpu.vector_load %arg5[%get3A_62, %get3A_63] {strides = array<i32>} : memref<125x80xi32, #tpu.memory_space<vmem>>, vector<1x16xi32>,
      %get3A_65 = vector.shape_cast %get3A_64 : vector<1x16xi32> to vector<16xi32>
      %and3A_66 = arith.constant 65535 : i32
      %and3A_67 = vector.broadcast %and3A_66 : i32 to vector<16xi32>
      %and3A_68 = arith.andi %get3A_65, %and3A_67 : vector<16xi32>
      %swap3A_69 = arith.constant 32 : index
      %swap3A_70 = tpu.vector_load %arg6[%swap3A_69] {strides = array<i32>} : memref<80xi32, #tpu.memory_space<vmem>>, vector<16xi32>,
      %swap3A_71 = vector.shape_cast %swap3A_70 : vector<16xi32> to vector<16xi32>
      %swap3A_72 = vector.shape_cast %and3A_68 : vector<16xi32> to vector<16xi32>
      tpu.vector_store %arg6[%swap3A_69], %swap3A_72 {strides = array<i32>} : memref<80xi32, #tpu.memory_space<vmem>>, vector<16xi32>,
      %shift_right_logical3A_73 = arith.constant 16 : i32
      %shift_right_logical3A_74 = vector.broadcast %shift_right_logical3A_73 : i32 to vector<16xi32>
      %shift_right_logical3A_75 = arith.shrui %get3A_65, %shift_right_logical3A_74 : vector<16xi32>
      %swap3A_76 = arith.constant 32 : index
      %swap3A_77 = tpu.vector_load %arg7[%swap3A_76] {strides = array<i32>} : memref<80xi32, #tpu.memory_space<vmem>>, vector<16xi32>,
      %swap3A_78 = vector.shape_cast %swap3A_77 : vector<16xi32> to vector<16xi32>
      %swap3A_79 = vector.shape_cast %shift_right_logical3A_75 : vector<16xi32> to vector<16xi32>
      tpu.vector_store %arg7[%swap3A_76], %swap3A_79 {strides = array<i32>} : memref<80xi32, #tpu.memory_space<vmem>>, vector<16xi32>,
      %get3A_80 = arith.index_cast %scan3A_28 : i32 to index
      %get3A_81 = arith.constant 48 : index
      %get3A_82 = tpu.vector_load %arg5[%get3A_80, %get3A_81] {strides = array<i32>} : memref<125x80xi32, #tpu.memory_space<vmem>>, vector<1x16xi32>,
      %get3A_83 = vector.shape_cast %get3A_82 : vector<1x16xi32> to vector<16xi32>
      %and3A_84 = arith.constant 65535 : i32
      %and3A_85 = vector.broadcast %and3A_84 : i32 to vector<16xi32>
      %and3A_86 = arith.andi %get3A_83, %and3A_85 : vector<16xi32>
      %swap3A_87 = arith.constant 48 : index
      %swap3A_88 = tpu.vector_load %arg6[%swap3A_87] {strides = array<i32>} : memref<80xi32, #tpu.memory_space<vmem>>, vector<16xi32>,
      %swap3A_89 = vector.shape_cast %swap3A_88 : vector<16xi32> to vector<16xi32>
      %swap3A_90 = vector.shape_cast %and3A_86 : vector<16xi32> to vector<16xi32>
      tpu.vector_store %arg6[%swap3A_87], %swap3A_90 {strides = array<i32>} : memref<80xi32, #tpu.memory_space<vmem>>, vector<16xi32>,
      %shift_right_logical3A_91 = arith.constant 16 : i32
      %shift_right_logical3A_92 = vector.broadcast %shift_right_logical3A_91 : i32 to vector<16xi32>
      %shift_right_logical3A_93 = arith.shrui %get3A_83, %shift_right_logical3A_92 : vector<16xi32>
      %swap3A_94 = arith.constant 48 : index
      %swap3A_95 = tpu.vector_load %arg7[%swap3A_94] {strides = array<i32>} : memref<80xi32, #tpu.memory_space<vmem>>, vector<16xi32>,
      %swap3A_96 = vector.shape_cast %swap3A_95 : vector<16xi32> to vector<16xi32>
      %swap3A_97 = vector.shape_cast %shift_right_logical3A_93 : vector<16xi32> to vector<16xi32>
      tpu.vector_store %arg7[%swap3A_94], %swap3A_97 {strides = array<i32>} : memref<80xi32, #tpu.memory_space<vmem>>, vector<16xi32>,
      %get3A_98 = arith.index_cast %scan3A_28 : i32 to index
      %get3A_99 = arith.constant 64 : index
      %get3A_100 = tpu.vector_load %arg5[%get3A_98, %get3A_99] {strides = array<i32>} : memref<125x80xi32, #tpu.memory_space<vmem>>, vector<1x16xi32>,
      %get3A_101 = vector.shape_cast %get3A_100 : vector<1x16xi32> to vector<16xi32>
      %and3A_102 = arith.constant 65535 : i32
      %and3A_103 = vector.broadcast %and3A_102 : i32 to vector<16xi32>
      %and3A_104 = arith.andi %get3A_101, %and3A_103 : vector<16xi32>
      %swap3A_105 = arith.constant 64 : index
      %swap3A_106 = tpu.vector_load %arg6[%swap3A_105] {strides = array<i32>} : memref<80xi32, #tpu.memory_space<vmem>>, vector<16xi32>,
      %swap3A_107 = vector.shape_cast %swap3A_106 : vector<16xi32> to vector<16xi32>
      %swap3A_108 = vector.shape_cast %and3A_104 : vector<16xi32> to vector<16xi32>
      tpu.vector_store %arg6[%swap3A_105], %swap3A_108 {strides = array<i32>} : memref<80xi32, #tpu.memory_space<vmem>>, vector<16xi32>,
      %shift_right_logical3A_109 = arith.constant 16 : i32
      %shift_right_logical3A_110 = vector.broadcast %shift_right_logical3A_109 : i32 to vector<16xi32>
      %shift_right_logical3A_111 = arith.shrui %get3A_101, %shift_right_logical3A_110 : vector<16xi32>
      %swap3A_112 = arith.constant 64 : index
      %swap3A_113 = tpu.vector_load %arg7[%swap3A_112] {strides = array<i32>} : memref<80xi32, #tpu.memory_space<vmem>>, vector<16xi32>,
      %swap3A_114 = vector.shape_cast %swap3A_113 : vector<16xi32> to vector<16xi32>
      %swap3A_115 = vector.shape_cast %shift_right_logical3A_111 : vector<16xi32> to vector<16xi32>
      tpu.vector_store %arg7[%swap3A_112], %swap3A_115 {strides = array<i32>} : memref<80xi32, #tpu.memory_space<vmem>>, vector<16xi32>,
      %dma_start3A = arith.constant 0 : i32
      %dma_start3A_116 = arith.constant 0 : i32
      %dma_start3A_117 = tpu.memref_slice %arg2[%dma_start3A, %dma_start3A_116] : memref<10000x128xf32, #tpu.memory_space<hbm>> -> memref<10000x128xf32, #tpu.memory_space<hbm>>
      tpu.enqueue_indirect_dma source(%dma_start3A_117 : memref<10000x128xf32, #tpu.memory_space<hbm>>) target(%arg10 : memref<80x128xf32, #tpu.memory_space<vmem>>) offsets(%arg6 : memref<80xi32, #tpu.memory_space<vmem>>) semaphore(%arg13 : memref<!tpu.dma_semaphore, #tpu.memory_space<semaphore_mem>>)
      %dma_wait3A = arith.constant 0 : i32
      %dma_wait3A_118 = arith.constant 0 : i32
      %dma_wait3A_119 = tpu.memref_slice %arg2[%dma_wait3A, %dma_wait3A_118] : memref<10000x128xf32, #tpu.memory_space<hbm>> -> memref<10000x128xf32, #tpu.memory_space<hbm>>
      tpu.wait_indirect_dma semaphore(%arg13 : memref<!tpu.dma_semaphore, #tpu.memory_space<semaphore_mem>>) src(%dma_wait3A_119 : memref<10000x128xf32, #tpu.memory_space<hbm>>) dst(%arg10 : memref<80x128xf32, #tpu.memory_space<vmem>>)
      "tpu.region"() ({
        %run_scoped3A = tpu.sem_alloc : memref<!tpu.dma_semaphore, #tpu.memory_space<semaphore_mem>>
        %dma_start3A_121 = arith.constant 0 : i32
        %dma_start3A_122 = arith.constant 0 : i32
        %dma_start3A_123 = tpu.memref_slice %arg12[%dma_start3A_121, %dma_start3A_122] : memref<10240x128xf32, #tpu.memory_space<vmem_shared>> -> memref<10240x128xf32, #tpu.memory_space<vmem_shared>>
        tpu.enqueue_indirect_dma source(%arg10 : memref<80x128xf32, #tpu.memory_space<vmem>>) target(%dma_start3A_123 : memref<10240x128xf32, #tpu.memory_space<vmem_shared>>) offsets(%arg7 : memref<80xi32, #tpu.memory_space<vmem>>) semaphore(%run_scoped3A : memref<!tpu.dma_semaphore, #tpu.memory_space<semaphore_mem>>) {add = true}
        %dma_wait3A_124 = arith.constant 0 : i32
        %dma_wait3A_125 = arith.constant 0 : i32
        %dma_wait3A_126 = tpu.memref_slice %arg12[%dma_wait3A_124, %dma_wait3A_125] : memref<10240x128xf32, #tpu.memory_space<vmem_shared>> -> memref<10240x128xf32, #tpu.memory_space<vmem_shared>>
        tpu.wait_indirect_dma semaphore(%run_scoped3A : memref<!tpu.dma_semaphore, #tpu.memory_space<semaphore_mem>>) src(%arg10 : memref<80x128xf32, #tpu.memory_space<vmem>>) dst(%dma_wait3A_126 : memref<10240x128xf32, #tpu.memory_space<vmem_shared>>)
        tpu.yield
      }) : () -> ()
      %scan3A_120 = arith.constant 0 : i32
      scf.yield %scan3A_120 : i32
    }
    %scan3A_20 = arith.constant 125 : i32
    %barrier3A_21 = arith.constant 0 : index
    tpu.barrier barrier_id(%barrier3A_21)
    %mul3A_22 = arith.constant 624 : i32
    %mul3A_23 = arith.muli %arg1, %mul3A_22 : i32
    %mul3A_24 = arith.constant 624 : i32
    %mul3A_25 = arith.muli %arg1, %mul3A_24 : i32
    "tpu.region"() ({
      %run_scoped3A = tpu.sem_alloc : memref<!tpu.dma_semaphore, #tpu.memory_space<semaphore_mem>>
      %dma_start3A = arith.constant 0 : i32
      %dma_start3A_28 = tpu.memref_slice %arg4[%arg0, %mul3A_25, %dma_start3A] : memref<2x10000x128xf32, #tpu.memory_space<hbm>> -> memref<1x624x128xf32, #tpu.memory_space<hbm>>
      %dma_start3A_29 = tpu.memref_squeeze %dma_start3A_28 : memref<1x624x128xf32, #tpu.memory_space<hbm>> -> memref<624x128xf32, #tpu.memory_space<hbm>>
      %dma_start3A_30 = arith.constant 0 : i32
      %dma_start3A_31 = tpu.memref_slice %arg12[%mul3A_23, %dma_start3A_30] : memref<10240x128xf32, #tpu.memory_space<vmem_shared>> -> memref<624x128xf32, #tpu.memory_space<vmem_shared>>
      tpu.enqueue_dma source(%dma_start3A_31 : memref<624x128xf32, #tpu.memory_space<vmem_shared>>) target(%dma_start3A_29 : memref<624x128xf32, #tpu.memory_space<hbm>>) target_semaphore(%run_scoped3A : memref<!tpu.dma_semaphore, #tpu.memory_space<semaphore_mem>>)
      %dma_wait3A = arith.constant 0 : i32
      %dma_wait3A_32 = tpu.memref_slice %arg4[%arg0, %mul3A_25, %dma_wait3A] : memref<2x10000x128xf32, #tpu.memory_space<hbm>> -> memref<1x624x128xf32, #tpu.memory_space<hbm>>
      %dma_wait3A_33 = tpu.memref_squeeze %dma_wait3A_32 : memref<1x624x128xf32, #tpu.memory_space<hbm>> -> memref<624x128xf32, #tpu.memory_space<hbm>>
      %dma_wait3A_34 = arith.constant 0 : i32
      %dma_wait3A_35 = tpu.memref_slice %arg12[%mul3A_23, %dma_wait3A_34] : memref<10240x128xf32, #tpu.memory_space<vmem_shared>> -> memref<624x128xf32, #tpu.memory_space<vmem_shared>>
      tpu.wait_dma2 semaphore(%run_scoped3A : memref<!tpu.dma_semaphore, #tpu.memory_space<semaphore_mem>>) src(%dma_wait3A_35 : memref<624x128xf32, #tpu.memory_space<vmem_shared>>) dst(%dma_wait3A_33 : memref<624x128xf32, #tpu.memory_space<hbm>>)
      tpu.yield
    }) : () -> ()
    %eq3A = arith.constant 0 : i32
    %eq3A_26 = arith.cmpi eq, %arg1, %eq3A : i32
    %convert_element_type3A = arith.extui %eq3A_26 : i1 to i32
    %cond3A = arith.constant 0 : i32
    %cond3A_27 = arith.cmpi ne, %convert_element_type3A, %cond3A : i32
    scf.if %cond3A_27 {
      "tpu.region"() ({
        %run_scoped3A = tpu.sem_alloc : memref<!tpu.dma_semaphore, #tpu.memory_space<semaphore_mem>>
        %dma_start3A = arith.constant 9984 : i32
        %dma_start3A_28 = arith.constant 0 : i32
        %dma_start3A_29 = tpu.memref_slice %arg4[%arg0, %dma_start3A, %dma_start3A_28] : memref<2x10000x128xf32, #tpu.memory_space<hbm>> -> memref<1x16x128xf32, #tpu.memory_space<hbm>>
        %dma_start3A_30 = tpu.memref_squeeze %dma_start3A_29 : memref<1x16x128xf32, #tpu.memory_space<hbm>> -> memref<16x128xf32, #tpu.memory_space<hbm>>
        %dma_start3A_31 = arith.constant 9984 : i32
        %dma_start3A_32 = arith.constant 0 : i32
        %dma_start3A_33 = tpu.memref_slice %arg12[%dma_start3A_31, %dma_start3A_32] : memref<10240x128xf32, #tpu.memory_space<vmem_shared>> -> memref<16x128xf32, #tpu.memory_space<vmem_shared>>
        tpu.enqueue_dma source(%dma_start3A_33 : memref<16x128xf32, #tpu.memory_space<vmem_shared>>) target(%dma_start3A_30 : memref<16x128xf32, #tpu.memory_space<hbm>>) target_semaphore(%run_scoped3A : memref<!tpu.dma_semaphore, #tpu.memory_space<semaphore_mem>>)
        %dma_wait3A = arith.constant 9984 : i32
        %dma_wait3A_34 = arith.constant 0 : i32
        %dma_wait3A_35 = tpu.memref_slice %arg4[%arg0, %dma_wait3A, %dma_wait3A_34] : memref<2x10000x128xf32, #tpu.memory_space<hbm>> -> memref<1x16x128xf32, #tpu.memory_space<hbm>>
        %dma_wait3A_36 = tpu.memref_squeeze %dma_wait3A_35 : memref<1x16x128xf32, #tpu.memory_space<hbm>> -> memref<16x128xf32, #tpu.memory_space<hbm>>
        %dma_wait3A_37 = arith.constant 9984 : i32
        %dma_wait3A_38 = arith.constant 0 : i32
        %dma_wait3A_39 = tpu.memref_slice %arg12[%dma_wait3A_37, %dma_wait3A_38] : memref<10240x128xf32, #tpu.memory_space<vmem_shared>> -> memref<16x128xf32, #tpu.memory_space<vmem_shared>>
        tpu.wait_dma2 semaphore(%run_scoped3A : memref<!tpu.dma_semaphore, #tpu.memory_space<semaphore_mem>>) src(%dma_wait3A_39 : memref<16x128xf32, #tpu.memory_space<vmem_shared>>) dst(%dma_wait3A_36 : memref<16x128xf32, #tpu.memory_space<hbm>>)
        tpu.yield
      }) : () -> ()
    } else {
    }
    return
  }
}

module attributes {stable_mosaic.version = 14 : i64} {
  func.func @_enc_body(%arg0: i32, %arg1: memref<1000x32xf32, #tpu.memory_space<vmem>>, %arg2: memref<32x128xf32, #tpu.memory_space<vmem>>, %arg3: memref<1x128xf32, #tpu.memory_space<vmem>>, %arg4: memref<128x128xf32, #tpu.memory_space<vmem>>, %arg5: memref<2x1000x16xf32, #tpu.memory_space<vmem>>, %arg6: memref<1000x128xf32, #tpu.memory_space<vmem>>) attributes {dimension_semantics = [#tpu.dimension_semantics<arbitrary>], iteration_bounds = array<i64: 10>, scalar_prefetch = 0 : i64, scratch_operands = 0 : i64, tpu.core_type = #tpu.core_type<tc>, window_params = [{transform_indices = @transform_0, window_bounds = array<i64: 1000, 32>}, {pipeline_mode = #tpu.pipeline_mode<synchronous>, transform_indices = @transform_1, window_bounds = array<i64: 32, 128>}, {pipeline_mode = #tpu.pipeline_mode<synchronous>, transform_indices = @transform_2, window_bounds = array<i64: 1, 128>}, {pipeline_mode = #tpu.pipeline_mode<synchronous>, transform_indices = @transform_3, window_bounds = array<i64: 128, 128>}, {transform_indices = @transform_4, window_bounds = array<i64: 2, 1000, 16>}, {transform_indices = @transform_5, window_bounds = array<i64: 1000, 128>}]} {
    %get3A = arith.constant 0 : index
    %get3A_0 = arith.constant 0 : index
    %get3A_1 = arith.constant 0 : index
    %get3A_2 = vector.load %arg5[%get3A, %get3A_0, %get3A_1] : memref<2x1000x16xf32, #tpu.memory_space<vmem>>, vector<1x1000x1xf32>
    %get3A_3 = vector.shape_cast %get3A_2 : vector<1x1000x1xf32> to vector<1000x1xf32>
    %add3A = arith.constant 1.000000e+00 : f32
    %add3A_4 = vector.broadcast %add3A : f32 to vector<1000x1xf32>
    %add3A_5 = arith.addf %add3A_4, %get3A_3 : vector<1000x1xf32>
    %get3A_6 = arith.constant 1 : index
    %get3A_7 = arith.constant 0 : index
    %get3A_8 = arith.constant 0 : index
    %get3A_9 = vector.load %arg5[%get3A_6, %get3A_7, %get3A_8] : memref<2x1000x16xf32, #tpu.memory_space<vmem>>, vector<1x1000x1xf32>
    %get3A_10 = vector.shape_cast %get3A_9 : vector<1x1000x1xf32> to vector<1000x1xf32>
    %add3A_11 = arith.addf %add3A_5, %get3A_10 : vector<1000x1xf32>
    %rsqrt3A = math.rsqrt %add3A_11 : vector<1000x1xf32>
    %get3A_12 = arith.constant 0 : index
    %get3A_13 = arith.constant 0 : index
    %get3A_14 = vector.load %arg1[%get3A_12, %get3A_13] : memref<1000x32xf32, #tpu.memory_space<vmem>>, vector<1000x32xf32>
    %get3A_15 = arith.constant 0 : index
    %get3A_16 = arith.constant 0 : index
    %get3A_17 = vector.load %arg2[%get3A_15, %get3A_16] : memref<32x128xf32, #tpu.memory_space<vmem>>, vector<32x128xf32>
    %dot_general3A = arith.constant dense<0.000000e+00> : vector<1000x128xf32>
    %dot_general3A_18 = tpu.matmul %get3A_14, %get3A_17, %dot_general3A {dimension_numbers = #tpu.dot_dimension_numbers<[1], [0], [0], [1], [0, 0, 1, 1], [], []>, transpose_lhs_hint = false} : vector<1000x32xf32>, vector<32x128xf32>, vector<1000x128xf32> -> vector<1000x128xf32>
    %get3A_19 = arith.constant 0 : index
    %get3A_20 = arith.constant 0 : index
    %get3A_21 = vector.load %arg3[%get3A_19, %get3A_20] : memref<1x128xf32, #tpu.memory_space<vmem>>, vector<1x128xf32>
    %add3A_22 = vector.broadcast %get3A_21 : vector<1x128xf32> to vector<1000x128xf32>
    %add3A_23 = arith.addf %dot_general3A_18, %add3A_22 : vector<1000x128xf32>
    %max3A = arith.constant 0.000000e+00 : f32
    %max3A_24 = vector.broadcast %max3A : f32 to vector<1000x128xf32>
    %max3A_25 = arith.maximumf %add3A_23, %max3A_24 : vector<1000x128xf32>
    %get3A_26 = arith.constant 0 : index
    %get3A_27 = arith.constant 0 : index
    %get3A_28 = vector.load %arg4[%get3A_26, %get3A_27] : memref<128x128xf32, #tpu.memory_space<vmem>>, vector<128x128xf32>
    %dot_general3A_29 = arith.constant dense<0.000000e+00> : vector<1000x128xf32>
    %dot_general3A_30 = tpu.matmul %max3A_25, %get3A_28, %dot_general3A_29 {dimension_numbers = #tpu.dot_dimension_numbers<[1], [0], [0], [1], [0, 0, 1, 1], [], []>, transpose_lhs_hint = false} : vector<1000x128xf32>, vector<128x128xf32>, vector<1000x128xf32> -> vector<1000x128xf32>
    %mul3A = vector.broadcast %rsqrt3A : vector<1000x1xf32> to vector<1000x128xf32>
    %mul3A_31 = arith.mulf %mul3A, %dot_general3A_30 : vector<1000x128xf32>
    %swap3A = arith.constant 0 : index
    %swap3A_32 = arith.constant 0 : index
    %swap3A_33 = vector.load %arg6[%swap3A, %swap3A_32] : memref<1000x128xf32, #tpu.memory_space<vmem>>, vector<1000x128xf32>
    tpu.vector_store %arg6[%swap3A, %swap3A_32], %mul3A_31 {strides = array<i32>} : memref<1000x128xf32, #tpu.memory_space<vmem>>, vector<1000x128xf32>,
    return
  }
  func.func @transform_0(%arg0: i32) -> (i32, i32) {
    %c0_i32 = arith.constant 0 : i32
    %c0_i32_0 = arith.constant 0 : i32
    return %arg0, %c0_i32 : i32, i32
  }
  func.func @transform_1(%arg0: i32) -> (i32, i32) {
    %c0_i32 = arith.constant 0 : i32
    %c0_i32_0 = arith.constant 0 : i32
    %c0_i32_1 = arith.constant 0 : i32
    return %c0_i32, %c0_i32_0 : i32, i32
  }
  func.func @transform_2(%arg0: i32) -> (i32, i32) {
    %c0_i32 = arith.constant 0 : i32
    %c0_i32_0 = arith.constant 0 : i32
    %c0_i32_1 = arith.constant 0 : i32
    return %c0_i32, %c0_i32_0 : i32, i32
  }
  func.func @transform_3(%arg0: i32) -> (i32, i32) {
    %c0_i32 = arith.constant 0 : i32
    %c0_i32_0 = arith.constant 0 : i32
    %c0_i32_1 = arith.constant 0 : i32
    return %c0_i32, %c0_i32_0 : i32, i32
  }
  func.func @transform_4(%arg0: i32) -> (i32, i32, i32) {
    %c0_i32 = arith.constant 0 : i32
    %c0_i32_0 = arith.constant 0 : i32
    %c0_i32_1 = arith.constant 0 : i32
    return %c0_i32, %arg0, %c0_i32_0 : i32, i32, i32
  }
  func.func @transform_5(%arg0: i32) -> (i32, i32) {
    %c0_i32 = arith.constant 0 : i32
    %c0_i32_0 = arith.constant 0 : i32
    return %arg0, %c0_i32 : i32, i32
  }
}

module attributes {stable_mosaic.version = 14 : i64} {
  func.func @_mid_body(%arg0: i32, %arg1: memref<2x1000x128xf32, #tpu.memory_space<vmem>>, %arg2: memref<1000x128xf32, #tpu.memory_space<vmem>>, %arg3: memref<2x1000x16xf32, #tpu.memory_space<vmem>>, %arg4: memref<1x128xf32, #tpu.memory_space<vmem>>, %arg5: memref<128x128xf32, #tpu.memory_space<vmem>>, %arg6: memref<1000x128xf32, #tpu.memory_space<vmem>>) attributes {dimension_semantics = [#tpu.dimension_semantics<arbitrary>], iteration_bounds = array<i64: 10>, scalar_prefetch = 0 : i64, scratch_operands = 0 : i64, tpu.core_type = #tpu.core_type<tc>, window_params = [{transform_indices = @transform_0, window_bounds = array<i64: 2, 1000, 128>}, {transform_indices = @transform_1, window_bounds = array<i64: 1000, 128>}, {transform_indices = @transform_2, window_bounds = array<i64: 2, 1000, 16>}, {pipeline_mode = #tpu.pipeline_mode<synchronous>, transform_indices = @transform_3, window_bounds = array<i64: 1, 128>}, {pipeline_mode = #tpu.pipeline_mode<synchronous>, transform_indices = @transform_4, window_bounds = array<i64: 128, 128>}, {transform_indices = @transform_5, window_bounds = array<i64: 1000, 128>}]} {
    %get3A = arith.constant 0 : index
    %get3A_0 = arith.constant 0 : index
    %get3A_1 = arith.constant 0 : index
    %get3A_2 = vector.load %arg3[%get3A, %get3A_0, %get3A_1] : memref<2x1000x16xf32, #tpu.memory_space<vmem>>, vector<1x1000x1xf32>
    %get3A_3 = vector.shape_cast %get3A_2 : vector<1x1000x1xf32> to vector<1000x1xf32>
    %add3A = arith.constant 1.000000e+00 : f32
    %add3A_4 = vector.broadcast %add3A : f32 to vector<1000x1xf32>
    %add3A_5 = arith.addf %add3A_4, %get3A_3 : vector<1000x1xf32>
    %get3A_6 = arith.constant 1 : index
    %get3A_7 = arith.constant 0 : index
    %get3A_8 = arith.constant 0 : index
    %get3A_9 = vector.load %arg3[%get3A_6, %get3A_7, %get3A_8] : memref<2x1000x16xf32, #tpu.memory_space<vmem>>, vector<1x1000x1xf32>
    %get3A_10 = vector.shape_cast %get3A_9 : vector<1x1000x1xf32> to vector<1000x1xf32>
    %add3A_11 = arith.addf %add3A_5, %get3A_10 : vector<1000x1xf32>
    %rsqrt3A = math.rsqrt %add3A_11 : vector<1000x1xf32>
    %get3A_12 = arith.constant 0 : index
    %get3A_13 = arith.constant 0 : index
    %get3A_14 = arith.constant 0 : index
    %get3A_15 = vector.load %arg1[%get3A_12, %get3A_13, %get3A_14] : memref<2x1000x128xf32, #tpu.memory_space<vmem>>, vector<1x1000x128xf32>
    %get3A_16 = vector.shape_cast %get3A_15 : vector<1x1000x128xf32> to vector<1000x128xf32>
    %get3A_17 = arith.constant 1 : index
    %get3A_18 = arith.constant 0 : index
    %get3A_19 = arith.constant 0 : index
    %get3A_20 = vector.load %arg1[%get3A_17, %get3A_18, %get3A_19] : memref<2x1000x128xf32, #tpu.memory_space<vmem>>, vector<1x1000x128xf32>
    %get3A_21 = vector.shape_cast %get3A_20 : vector<1x1000x128xf32> to vector<1000x128xf32>
    %add3A_22 = arith.addf %get3A_16, %get3A_21 : vector<1000x128xf32>
    %get3A_23 = arith.constant 0 : index
    %get3A_24 = arith.constant 0 : index
    %get3A_25 = vector.load %arg2[%get3A_23, %get3A_24] : memref<1000x128xf32, #tpu.memory_space<vmem>>, vector<1000x128xf32>
    %add3A_26 = arith.addf %add3A_22, %get3A_25 : vector<1000x128xf32>
    %mul3A = vector.broadcast %rsqrt3A : vector<1000x1xf32> to vector<1000x128xf32>
    %mul3A_27 = arith.mulf %mul3A, %add3A_26 : vector<1000x128xf32>
    %get3A_28 = arith.constant 0 : index
    %get3A_29 = arith.constant 0 : index
    %get3A_30 = vector.load %arg4[%get3A_28, %get3A_29] : memref<1x128xf32, #tpu.memory_space<vmem>>, vector<1x128xf32>
    %add3A_31 = vector.broadcast %get3A_30 : vector<1x128xf32> to vector<1000x128xf32>
    %add3A_32 = arith.addf %mul3A_27, %add3A_31 : vector<1000x128xf32>
    %max3A = arith.constant 0.000000e+00 : f32
    %max3A_33 = vector.broadcast %max3A : f32 to vector<1000x128xf32>
    %max3A_34 = arith.maximumf %add3A_32, %max3A_33 : vector<1000x128xf32>
    %get3A_35 = arith.constant 0 : index
    %get3A_36 = arith.constant 0 : index
    %get3A_37 = vector.load %arg5[%get3A_35, %get3A_36] : memref<128x128xf32, #tpu.memory_space<vmem>>, vector<128x128xf32>
    %dot_general3A = arith.constant dense<0.000000e+00> : vector<1000x128xf32>
    %dot_general3A_38 = tpu.matmul %max3A_34, %get3A_37, %dot_general3A {dimension_numbers = #tpu.dot_dimension_numbers<[1], [0], [0], [1], [0, 0, 1, 1], [], []>, transpose_lhs_hint = false} : vector<1000x128xf32>, vector<128x128xf32>, vector<1000x128xf32> -> vector<1000x128xf32>
    %mul3A_39 = vector.broadcast %rsqrt3A : vector<1000x1xf32> to vector<1000x128xf32>
    %mul3A_40 = arith.mulf %mul3A_39, %dot_general3A_38 : vector<1000x128xf32>
    %swap3A = arith.constant 0 : index
    %swap3A_41 = arith.constant 0 : index
    %swap3A_42 = vector.load %arg6[%swap3A, %swap3A_41] : memref<1000x128xf32, #tpu.memory_space<vmem>>, vector<1000x128xf32>
    tpu.vector_store %arg6[%swap3A, %swap3A_41], %mul3A_40 {strides = array<i32>} : memref<1000x128xf32, #tpu.memory_space<vmem>>, vector<1000x128xf32>,
    return
  }
  func.func @transform_0(%arg0: i32) -> (i32, i32, i32) {
    %c0_i32 = arith.constant 0 : i32
    %c0_i32_0 = arith.constant 0 : i32
    %c0_i32_1 = arith.constant 0 : i32
    return %c0_i32, %arg0, %c0_i32_0 : i32, i32, i32
  }
  func.func @transform_1(%arg0: i32) -> (i32, i32) {
    %c0_i32 = arith.constant 0 : i32
    %c0_i32_0 = arith.constant 0 : i32
    return %arg0, %c0_i32 : i32, i32
  }
  func.func @transform_2(%arg0: i32) -> (i32, i32, i32) {
    %c0_i32 = arith.constant 0 : i32
    %c0_i32_0 = arith.constant 0 : i32
    %c0_i32_1 = arith.constant 0 : i32
    return %c0_i32, %arg0, %c0_i32_0 : i32, i32, i32
  }
  func.func @transform_3(%arg0: i32) -> (i32, i32) {
    %c0_i32 = arith.constant 0 : i32
    %c0_i32_0 = arith.constant 0 : i32
    %c0_i32_1 = arith.constant 0 : i32
    return %c0_i32, %c0_i32_0 : i32, i32
  }
  func.func @transform_4(%arg0: i32) -> (i32, i32) {
    %c0_i32 = arith.constant 0 : i32
    %c0_i32_0 = arith.constant 0 : i32
    %c0_i32_1 = arith.constant 0 : i32
    return %c0_i32, %c0_i32_0 : i32, i32
  }
  func.func @transform_5(%arg0: i32) -> (i32, i32) {
    %c0_i32 = arith.constant 0 : i32
    %c0_i32_0 = arith.constant 0 : i32
    return %arg0, %c0_i32 : i32, i32
  }
}

module attributes {stable_mosaic.version = 14 : i64} {
  func.func @_out_body(%arg0: i32, %arg1: memref<2x1000x128xf32, #tpu.memory_space<vmem>>, %arg2: memref<1000x128xf32, #tpu.memory_space<vmem>>, %arg3: memref<2x1000x16xf32, #tpu.memory_space<vmem>>, %arg4: memref<1x128xf32, #tpu.memory_space<vmem>>, %arg5: memref<128x20xf32, #tpu.memory_space<vmem>>, %arg6: memref<1x20xf32, #tpu.memory_space<vmem>>, %arg7: memref<1000x20xf32, #tpu.memory_space<vmem>>) attributes {dimension_semantics = [#tpu.dimension_semantics<arbitrary>], iteration_bounds = array<i64: 10>, scalar_prefetch = 0 : i64, scratch_operands = 0 : i64, tpu.core_type = #tpu.core_type<tc>, window_params = [{transform_indices = @transform_0, window_bounds = array<i64: 2, 1000, 128>}, {transform_indices = @transform_1, window_bounds = array<i64: 1000, 128>}, {transform_indices = @transform_2, window_bounds = array<i64: 2, 1000, 16>}, {pipeline_mode = #tpu.pipeline_mode<synchronous>, transform_indices = @transform_3, window_bounds = array<i64: 1, 128>}, {pipeline_mode = #tpu.pipeline_mode<synchronous>, transform_indices = @transform_4, window_bounds = array<i64: 128, 20>}, {pipeline_mode = #tpu.pipeline_mode<synchronous>, transform_indices = @transform_5, window_bounds = array<i64: 1, 20>}, {transform_indices = @transform_6, window_bounds = array<i64: 1000, 20>}]} {
    %get3A = arith.constant 0 : index
    %get3A_0 = arith.constant 0 : index
    %get3A_1 = arith.constant 0 : index
    %get3A_2 = vector.load %arg3[%get3A, %get3A_0, %get3A_1] : memref<2x1000x16xf32, #tpu.memory_space<vmem>>, vector<1x1000x1xf32>
    %get3A_3 = vector.shape_cast %get3A_2 : vector<1x1000x1xf32> to vector<1000x1xf32>
    %add3A = arith.constant 1.000000e+00 : f32
    %add3A_4 = vector.broadcast %add3A : f32 to vector<1000x1xf32>
    %add3A_5 = arith.addf %add3A_4, %get3A_3 : vector<1000x1xf32>
    %get3A_6 = arith.constant 1 : index
    %get3A_7 = arith.constant 0 : index
    %get3A_8 = arith.constant 0 : index
    %get3A_9 = vector.load %arg3[%get3A_6, %get3A_7, %get3A_8] : memref<2x1000x16xf32, #tpu.memory_space<vmem>>, vector<1x1000x1xf32>
    %get3A_10 = vector.shape_cast %get3A_9 : vector<1x1000x1xf32> to vector<1000x1xf32>
    %add3A_11 = arith.addf %add3A_5, %get3A_10 : vector<1000x1xf32>
    %rsqrt3A = math.rsqrt %add3A_11 : vector<1000x1xf32>
    %get3A_12 = arith.constant 0 : index
    %get3A_13 = arith.constant 0 : index
    %get3A_14 = arith.constant 0 : index
    %get3A_15 = vector.load %arg1[%get3A_12, %get3A_13, %get3A_14] : memref<2x1000x128xf32, #tpu.memory_space<vmem>>, vector<1x1000x128xf32>
    %get3A_16 = vector.shape_cast %get3A_15 : vector<1x1000x128xf32> to vector<1000x128xf32>
    %get3A_17 = arith.constant 1 : index
    %get3A_18 = arith.constant 0 : index
    %get3A_19 = arith.constant 0 : index
    %get3A_20 = vector.load %arg1[%get3A_17, %get3A_18, %get3A_19] : memref<2x1000x128xf32, #tpu.memory_space<vmem>>, vector<1x1000x128xf32>
    %get3A_21 = vector.shape_cast %get3A_20 : vector<1x1000x128xf32> to vector<1000x128xf32>
    %add3A_22 = arith.addf %get3A_16, %get3A_21 : vector<1000x128xf32>
    %get3A_23 = arith.constant 0 : index
    %get3A_24 = arith.constant 0 : index
    %get3A_25 = vector.load %arg2[%get3A_23, %get3A_24] : memref<1000x128xf32, #tpu.memory_space<vmem>>, vector<1000x128xf32>
    %add3A_26 = arith.addf %add3A_22, %get3A_25 : vector<1000x128xf32>
    %mul3A = vector.broadcast %rsqrt3A : vector<1000x1xf32> to vector<1000x128xf32>
    %mul3A_27 = arith.mulf %mul3A, %add3A_26 : vector<1000x128xf32>
    %get3A_28 = arith.constant 0 : index
    %get3A_29 = arith.constant 0 : index
    %get3A_30 = vector.load %arg4[%get3A_28, %get3A_29] : memref<1x128xf32, #tpu.memory_space<vmem>>, vector<1x128xf32>
    %add3A_31 = vector.broadcast %get3A_30 : vector<1x128xf32> to vector<1000x128xf32>
    %add3A_32 = arith.addf %mul3A_27, %add3A_31 : vector<1000x128xf32>
    %max3A = arith.constant 0.000000e+00 : f32
    %max3A_33 = vector.broadcast %max3A : f32 to vector<1000x128xf32>
    %max3A_34 = arith.maximumf %add3A_32, %max3A_33 : vector<1000x128xf32>
    %get3A_35 = arith.constant 0 : index
    %get3A_36 = arith.constant 0 : index
    %get3A_37 = vector.load %arg5[%get3A_35, %get3A_36] : memref<128x20xf32, #tpu.memory_space<vmem>>, vector<128x20xf32>
    %dot_general3A = arith.constant dense<0.000000e+00> : vector<1000x20xf32>
    %dot_general3A_38 = tpu.matmul %max3A_34, %get3A_37, %dot_general3A {dimension_numbers = #tpu.dot_dimension_numbers<[1], [0], [0], [1], [0, 0, 1, 1], [], []>, transpose_lhs_hint = false} : vector<1000x128xf32>, vector<128x20xf32>, vector<1000x20xf32> -> vector<1000x20xf32>
    %get3A_39 = arith.constant 0 : index
    %get3A_40 = arith.constant 0 : index
    %get3A_41 = vector.load %arg6[%get3A_39, %get3A_40] : memref<1x20xf32, #tpu.memory_space<vmem>>, vector<1x20xf32>
    %add3A_42 = vector.broadcast %get3A_41 : vector<1x20xf32> to vector<1000x20xf32>
    %add3A_43 = arith.addf %dot_general3A_38, %add3A_42 : vector<1000x20xf32>
    %swap3A = arith.constant 0 : index
    %swap3A_44 = arith.constant 0 : index
    %swap3A_45 = vector.load %arg7[%swap3A, %swap3A_44] : memref<1000x20xf32, #tpu.memory_space<vmem>>, vector<1000x20xf32>
    tpu.vector_store %arg7[%swap3A, %swap3A_44], %add3A_43 {strides = array<i32>} : memref<1000x20xf32, #tpu.memory_space<vmem>>, vector<1000x20xf32>,
    return
  }
  func.func @transform_0(%arg0: i32) -> (i32, i32, i32) {
    %c0_i32 = arith.constant 0 : i32
    %c0_i32_0 = arith.constant 0 : i32
    %c0_i32_1 = arith.constant 0 : i32
    return %c0_i32, %arg0, %c0_i32_0 : i32, i32, i32
  }
  func.func @transform_1(%arg0: i32) -> (i32, i32) {
    %c0_i32 = arith.constant 0 : i32
    %c0_i32_0 = arith.constant 0 : i32
    return %arg0, %c0_i32 : i32, i32
  }
  func.func @transform_2(%arg0: i32) -> (i32, i32, i32) {
    %c0_i32 = arith.constant 0 : i32
    %c0_i32_0 = arith.constant 0 : i32
    %c0_i32_1 = arith.constant 0 : i32
    return %c0_i32, %arg0, %c0_i32_0 : i32, i32, i32
  }
  func.func @transform_3(%arg0: i32) -> (i32, i32) {
    %c0_i32 = arith.constant 0 : i32
    %c0_i32_0 = arith.constant 0 : i32
    %c0_i32_1 = arith.constant 0 : i32
    return %c0_i32, %c0_i32_0 : i32, i32
  }
  func.func @transform_4(%arg0: i32) -> (i32, i32) {
    %c0_i32 = arith.constant 0 : i32
    %c0_i32_0 = arith.constant 0 : i32
    %c0_i32_1 = arith.constant 0 : i32
    return %c0_i32, %c0_i32_0 : i32, i32
  }
  func.func @transform_5(%arg0: i32) -> (i32, i32) {
    %c0_i32 = arith.constant 0 : i32
    %c0_i32_0 = arith.constant 0 : i32
    %c0_i32_1 = arith.constant 0 : i32
    return %c0_i32, %c0_i32_0 : i32, i32
  }
  func.func @transform_6(%arg0: i32) -> (i32, i32) {
    %c0_i32 = arith.constant 0 : i32
    %c0_i32_0 = arith.constant 0 : i32
    return %arg0, %c0_i32 : i32, i32
  }
}

</mosaic_0001>

<sc_bundles>
// kernel: kernel.11.cloned.1.call-start
scs
__scs_entry_jumppad:
0x0: {  	(pc) =	sbr.rel $0x88, $3  }
0x1: {  	(tag) =	ssettag $0x0;
	lr =	simm.s32 $0x1  }
0x2: {  	[smem:$0x3F97] =	sst lr;
	_ =	strace $0xD0000000  }
0x3: {  	_ = 	snop  }
0x4: {  	_ = 	snop  }
0x5: {  	_ = 	snop  }
0x6: {  	_ = 	snop  }
0x7: {  	_ = 	snop  }
__scs_overlays_trampoline_lowered:
0x8: {  	[smem:$0x3FA6] =	sst s0  }
0x9: {  	[smem:$0x3FA7] =	sst s1  }
0xa: {  	[smem:$0x3FA8] =	sst s2  }
0xb: {  	[smem:$0x3FA9] =	sst s3  }
0xc: {  	[smem:$0x3FAA] =	sst s4  }
0xd: {  	[smem:$0x3FAB] =	sst s5  }
0xe: {  	[smem:$0x3FAC] =	sst s6  }
0xf: {  	[smem:$0x3FAD] =	sst s7  }
0x10: {  	[smem:$0x3FAE] =	sst s8  }
0x11: {  	[smem:$0x3FAF] =	sst s9;
	s0 =	simm.s32 @!p0 $0x0  }
0x12: {  	s1 =	sld [smem:$0x3F95];
	s0 =	simm.s32 @p0 $0x1  }
0x13: {  	[smem:$0x3FB0] =	sst s0;
	s0 =	simm.s32 @!p1 $0x0  }
0x14: {  	s2 =	sld [smem:$0x3F94];
	s0 =	simm.s32 @p1 $0x1  }
0x15: {  	[smem:$0x3FB1] =	sst s0;
	s0 =	simm.s32 @!p2 $0x0  }
0x16: {  	s3 =	sld [smem:$0x3FDB];
	s0 =	simm.s32 @p2 $0x1  }
0x17: {  	s4 =	simm.s32 $0x1BF5;
	[smem:$0x3FB3] =	sst s0  }
0x18: {  	s0 =	sld [smem:$0x3F96];
	_ =	swait.ge [sflag:s4], $0x0  }
0x19: {  	s7 =	sld [smem:$0x3F97]  }
0x1a: {  	s8 =	sadd.s32 $0xFFFFE003, lr  }
0x1b: {  	s9 =	sadd.s32 $0xFFFFFEF7, lr;
	s5 =	simm.s32 $0xFFFFFFFF;
	p2 =	slt.u32 s8, $0xFFFFF086  }
0x1c: {  	p1 =	slt.u32 s9, $0xF7A;
	s5 =	simm.s32 @!p2 $0x0  }
0x1d: {  	s5 =	simm.s32 @p1 $0x1;
	p0 =	seq.s32 s7, s2  }
0x1e: {  	s7 =	smul.u32 @!p0 $0xF7A, s2;
	p2 =	seq.s32 @!p0 s5, $0x0  }
0x1f: {  	s9 =	smul.u32 $0xF7A, s1;
	s8 =	simm.s32 @!p0 $0x1BF5;
	p2 =	por !p2, p0  }
0x20: {  	[sflag:s8] =	ssyncset.s32 @!p0 $0xFFFFF086;
	s6 =	sadd.s32 @!p0 s3, s7;
	s7 =	simm.s32 @!p0 $0x108  }
0x21: {  	s3 =	sadd.s32 s3, s9;
	s6 =	sadd.s32 @!p0 $0x88, s6;
	s7 =	simm.s32 @p2 $0x1082  }
0x22: {  	[simem:s7], [sflag:s8] =	dma.local @!p0 [hbm:s6], $0xF7A  }
0x23: {  	s9 =	sor.u32 $0xD0000000, s2;
	s6 =	simm.s32 $0x108;
	_ =	swait.ge @!p0 [sflag:s8], $0x0  }
0x24: {  	s3 =	sadd.s32 $0x88, s3;
	s6 =	simm.s32 @!p1 $0x1082;
	[sflag:s4] =	ssyncset.s32 $0xFFFFF086  }
0x25: {  	[simem:s6], [sflag:s4] =	dma.local [hbm:s3], $0xF7A  }
0x26: {  	[smem:$0x3F97] =	sst s1;
	(tag) =	ssettag s2;
	_ =	strace s9  }
0x27: {  	s1 =	sld [smem:$0x3FA7]  }
0x28: {  	s2 =	sld [smem:$0x3FA8]  }
0x29: {  	s4 =	sld [smem:$0x3FAA]  }
0x2a: {  	p0 =	seq.s32 s5, $0x0;
	s5 =	sld [smem:$0x3FAB]  }
0x2b: {  	s6 =	sld [smem:$0x3FAC]  }
0x2c: {  	s7 =	sld [smem:$0x3FAD]  }
0x2d: {  	s3 =	simm.s32 $0x108;
	s8 =	sld [smem:$0x3FAE]  }
0x2e: {  	s3 =	simm.s32 @!p0 $0x1082;
	s9 =	sld [smem:$0x3FAF]  }
0x2f: {  	lr =	sadd.s32 s0, s3;
	s0 =	sld [smem:$0x3FA6]  }
0x30: {  	s3 =	sld [smem:$0x3FA9]  }
0x31: {  	[smem:$0x3FB2] =	sst s10  }
0x32: {  	s10 =	sld [smem:$0x3FB0];
	_ =	sdelay $0x3  }
0x33: {  	p0 =	seq.s32 s10, $0x1;
	s10 =	sld [smem:$0x3FB2];
	_ =	sdelay $0x3  }
0x34: {  	[smem:$0x3FB2] =	sst s10  }
0x35: {  	s10 =	sld [smem:$0x3FB1];
	_ =	sdelay $0x3  }
0x36: {  	p1 =	seq.s32 s10, $0x1;
	s10 =	sld [smem:$0x3FB2];
	_ =	sdelay $0x3  }
0x37: {  	[smem:$0x3FB2] =	sst s10  }
0x38: {  	s10 =	sld [smem:$0x3FB3]  }
0x39: {  	_ = 	snop;
	(pc) =	sbr.ind lr, $3  }
0x3a: {  	_ = 	snop  }
0x3b: {  	_ = 	snop  }
0x3c: {  	p2 =	seq.s32 s10, $0x1;
	s10 =	sld [smem:$0x3FB2]  }
0x3d: {  	_ =	shalt  }
0x3e: {  	_ =	shalt  }
0x3f: {  	_ =	shalt  }
0x40: {  	_ =	shalt  }
0x41: {  	_ =	shalt  }
0x42: {  	_ =	shalt  }
0x43: {  	_ =	shalt  }
0x44: {  	_ =	shalt  }
0x45: {  	_ =	shalt  }
0x46: {  	_ =	shalt  }
0x47: {  	_ =	shalt  }
0x48: {  	_ =	shalt  }
0x49: {  	_ =	shalt  }
0x4a: {  	_ =	shalt  }
0x4b: {  	_ =	shalt  }
0x4c: {  	_ =	shalt  }
0x4d: {  	_ =	shalt  }
0x4e: {  	_ =	shalt  }
0x4f: {  	_ =	shalt  }
0x50: {  	_ =	shalt  }
0x51: {  	_ =	shalt  }
0x52: {  	_ =	shalt  }
0x53: {  	_ =	shalt  }
0x54: {  	_ =	shalt  }
0x55: {  	_ =	shalt  }
0x56: {  	_ =	shalt  }
0x57: {  	_ =	shalt  }
0x58: {  	_ =	shalt  }
0x59: {  	_ =	shalt  }
0x5a: {  	_ =	shalt  }
0x5b: {  	_ =	shalt  }
0x5c: {  	_ =	shalt  }
0x5d: {  	_ =	shalt  }
0x5e: {  	_ =	shalt  }
0x5f: {  	_ =	shalt  }
0x60: {  	_ =	shalt  }
0x61: {  	_ =	shalt  }
0x62: {  	_ =	shalt  }
0x63: {  	_ =	shalt  }
0x64: {  	_ =	shalt  }
0x65: {  	_ =	shalt  }
0x66: {  	_ =	shalt  }
0x67: {  	_ =	shalt  }
0x68: {  	_ =	shalt  }
0x69: {  	_ =	shalt  }
0x6a: {  	_ =	shalt  }
0x6b: {  	_ =	shalt  }
0x6c: {  	_ =	shalt  }
0x6d: {  	_ =	shalt  }
0x6e: {  	_ =	shalt  }
0x6f: {  	_ =	shalt  }
0x70: {  	_ =	shalt  }
0x71: {  	_ =	shalt  }
0x72: {  	_ =	shalt  }
0x73: {  	_ =	shalt  }
0x74: {  	_ =	shalt  }
0x75: {  	_ =	shalt  }
0x76: {  	_ =	shalt  }
0x77: {  	_ =	shalt  }
0x78: {  	_ =	shalt  }
0x79: {  	_ =	shalt  }
0x7a: {  	_ =	shalt  }
0x7b: {  	_ =	shalt  }
0x7c: {  	_ =	shalt  }
0x7d: {  	_ =	shalt  }
0x7e: {  	_ =	shalt  }
0x7f: {  	_ =	shalt  }
0x80: {  	_ =	shalt  }
0x81: {  	_ =	shalt  }
0x82: {  	_ =	shalt  }
0x83: {  	_ =	shalt  }
0x84: {  	_ =	shalt  }
0x85: {  	_ =	shalt  }
0x86: {  	_ =	shalt  }
0x87: {  	_ =	shalt  }
.Lfunc_end0:
.L_simem_size_0:
called_computation.1_lowered:
.L_overlay_start_0:
0x88: {  	s2 =	sld [smem:$0x3FD9]  }
0x89: {  	s3 =	sld [smem:$0x3FFE];
	_ =	sdelay $0x1  }
0x8a: {  	s1 =	srdreg.scid  }
0x8b: {  	s0 =	sand.u32 $0x1, s1  }
0x8c: {  	s16 =	sshll.u32 s0, $0xA;
	s2 =	sadd.s32 s3, s2  }
0x8d: {  	s2 =	sadd.s32 s2, s16  }
0x8e: {  	[smem:$0x3FBE] =	sst s2  }
0x8f: {  	_ = 	snop  }
0x90: {  	(tm) =	ssettm $0x1  }
0x91: {  	s17 =	sld [smem:$0x3FFB];
	_ =	sdelay $0x3  }
0x92: {  	_ =	strace s17  }
0x93: {  	s2 =	sld [smem:$0x3FFC];
	_ =	sdelay $0x3  }
0x94: {  	_ =	strace s2  }
0x95: {  	s2 =	sld [smem:$0x3FFD];
	_ =	sdelay $0x3  }
0x96: {  	_ =	strace s2  }
0x97: {  	_ =	strace $0x8FFFFFFF  }
0x98: {  	s18 =	sld [smem:$0x3FDB];
	_ =	sdelay $0x1  }
0x99: {  	s19 =	simm.s32 $_scs_section_size  }
0x9a: {  	s4 =	simm.s32 $_size__tile_overlayer_lowered;
	s5 =	simm.s32 $_tile_overlayer_lowered  }
0x9b: {  	s22 =	simm.s32 $0x1BFF;
	s21 =	sshll.u32 s5, $0x1;
	s2 =	sadd.s32 s19, s18  }
0x9c: {  	s6 =	simm.s32 $0x0;
	s20 =	sshll.u32 s4, $0x1;
	s4 =	sadd.s32 s21, s2  }
0x9d: {  	[timem:s6], [sflag:s22] =	dma.local [hbm:s4], s20  }
0x9e: {  	_ =	swait.ge [sflag:s22], s20  }
0x9f: {  	s3 =	ssub.s32 $0x0, s20;
	[sflag:s22] =	ssyncset.done $0x0  }
0xa0: {  	[sflag:s22] =	ssyncadd.s32 s3;
	_ =	sdelay $0x1  }
0xa1: {  	s23 =	simm.s32 $0x1B8B  }
0xa2: {  	_ =	swait.ge [sflag:s23], $0x1  }
0xa3: {  	[sflag:s23] =	ssyncset.done $0x0  }
0xa4: {  	s25 =	simm.s32 $0x1B8E;
	s24 =	sld [smem:$0x3FFE];
	[sflag:s23] =	ssyncadd.s32 $0xFFFFFFFF  }
0xa5: {  	s26 =	simm.s32 $execute0_lowered;
	[smem:$0x3FD2] =	sst s25  }
0xa6: {  	s4 =	sshll.u32 s26, $0x1;
	_ =	strace $0x80000049;
	[dreg:$0x1] =	wrdreg $0xFFFFFFFF  }
0xa7: {  	s28 =	simm.s32 $_size_execute0_lowered;
	s2 =	sadd.s32 s2, s4;
	[dreg:$0x0] =	wrdreg $0x0  }
0xa8: {  	s4 =	sshll.u32 s28, $0x1;
	[dreg:$0x2] =	wrdreg s2  }
0xa9: {  	[dreg:$0x3] =	wrdreg s4  }
0xaa: {  	[dreg:$0x4] =	wrdreg $0xC0  }
0xab: {  	_ =	task [dreg:s6], $0x5FFFF  }
0xac: {  	[dreg:$0x1] =	wrdreg $0xFFFFFFFF  }
0xad: {  	[dreg:$0x0] =	wrdreg $0x60  }
0xae: {  	[dreg:$0x2] =	wrdreg s24  }
0xaf: {  	[dreg:$0x3] =	wrdreg $0x69000  }
0xb0: {  	[dreg:$0x4] =	wrdreg $0x9  }
0xb1: {  	_ =	task.clear_ibuf [dreg:s6], $0x5FFFF;
	_ =	strace $0x90000049  }
0xb2: {  	s29 =	simm.s32 $0x9;
	_ =	strace $0x8000004B  }
0xb3: {  	_ =	swait.ge [sflag:s29], $0x1  }
0xb4: {  	[sflag:s29] =	ssyncadd.s32 $0xFFFFFFFF  }
0xb5: {  	_ =	strace $0x9000004B  }
0xb6: {  	_ =	sfence  }
0xb7: {  	s30 =	sld [smem:$0x0];
	_ =	sdelay $0x2  }
0xb8: {  	s31 =	sshll.u32 s1, $0xD;
	s1 =	sshrl.u32 s1, $0x2  }
0xb9: {  	s3 =	sand.u32 $0x4000, s31;
	s1 =	sadd.s32 s1, s30  }
0xba: {  	s0 =	sor.u32 s3, s0;
	s1 =	sshll.u32 s1, $0x11  }
0xbb: {  	s0 =	sor.u32 s1, s0  }
0xbc: {  	s0 =	sadd.s32 $0x8F2B, s0  }
0xbd: {  	[sflag:s0] =	ssyncadd.remote.s32 $0x1  }
0xbe: {  	_ =	sfence.sel $0xFFFF  }
0xbf: {  	[dreg:$0x0] =	wrdreg $0xFFFFFFFF;
	(pc) =	sbr.abs _section_cstart, $3  }
0xc0: {  	[dreg:$0x1] =	wrdreg $0xFFFFFFFF  }
0xc1: {  	_ =	task.clear_ibuf [dreg:s6], $0x2FFFF;
	_ =	strace $0x9FFFFFFF  }
0xc2: {  	(tm) =	ssettm $0x7FFFFFFF  }
0xc3: {  	_ =	shalt  }
tec
execute0_lowered:
.L_overlay_start_1:
0x0: {  	(tag) =	ssettag $0x1  }
0x1: {  	s5 =	rddreg [dreg:$0x0]  }
0x2: {  	s1 =	rddreg [dreg:$0x1]  }
0x3: {  	s0 =	rddreg [dreg:$0x2];
	s2 =	simm.s32 $0x0  }
0x4: {  	s6 =	srdreg.scid;
	s4 =	stileid.u32;
	s17 =	simm.s32 $0x4100  }
0x5: {  	s18 =	simm.s32 $0x2;
	s19 =	simm.s32 $0x50;
	s20 =	simm.s32 $0x4000  }
0x6: {  	s21 =	simm.s32 $0x1;
	s22 =	simm.s32 $0x4080;
	s25 =	simm.s32 $0x0  }
0x7: {  	[smem:$0x7FF] =	sst s2;
	s3 =	sadd.s32 $0x60A00, s5;
	s11 =	smul.u32 $0x13800, s4  }
0x8: {  	s6 =	sand.u32 $0x1, s6;
	s7 =	sshll.u32 s4, $0xB;
	s29 =	smul.u32 $0x4E000, s4  }
0x9: {  	s12 =	sadd.s32 $0x87C00, s5;
	s30 =	smul.u32 $0x50000, s4;
	s24 =	sadd.s32 $0x138000, s1  }
0xa: {  	p0 =	sne.s32 s4, $0x0;
	_ =	strace $0x8000004A;
	s8 =	ssub.s32 $0x2, s6  }
0xb: {  	s9 =	smul.u32 $0x138800, s6;
	s7 =	sadd.s32 s7, s5;
	s26 =	sshll.u32 s6, $0xF  }
0xc: {  	s24 =	sshrl.u32 @!p0 s24, $0x3;
	s10 =	sshrl.u32 s8, $0x1;
	s5 =	sadd.s32 s26, s7  }
0xd: {  	s7 =	sshrl.u32 s29, $0x2;
	s10 =	ssub.s32 s8, s10;
	s28 =	sadd.s32 s11, s9  }
0xe: {  	s5 =	sadd.s32 $0x2800, s5;
	s9 =	sshrl.u32 s9, $0x3;
	s23 =	sadd.s32 s7, s1  }
0xf: {  	s8 =	sshrl.u32 s30, $0x2;
	s6 =	sshrl.u32 s28, $0x3;
	s31 =	sadd.s32 s12, s9  }
0x10: {  	s8 =	sadd.s32 s8, s1;
	s9 =	smax.u32 s10, $0x1;
	s23 =	sshrl.u32 s23, $0x3  }
0x11: {  	s6 =	sadd.s32 s12, s6;
	s7 =	sadd.s32 $0x27000, s31;
	s10 =	sadd.s32 $0x2800, s8  }
0x12: {  	s11 =	sadd.s32 $0x5000, s8;
	s12 =	sadd.s32 $0x7800, s8;
	s13 =	sadd.s32 $0xA000, s8  }
0x13: {  	v0 =	vimm.f32 $0.0e+00;
	s14 =	sadd.s32 $0xC800, s8;
	s15 =	sadd.s32 $0xF000, s8;
	s16 =	sadd.s32 $0x11800, s8  }
.LBB2_1:
0x14: {  	s26 =	sand.u32 $0xFE00, s2  }
0x15: {  	s28 =	sand.u32 $0x70, s2;
	s29 =	sshrl.u32 s26, $0x2  }
0x16: {  	s26 =	simm.s32 $0x40;
	s29 =	sor.u32 s28, s29;
	s28 =	simm.s32 $0x0  }
.LBB2_2:
0x17: {  	p1 =	sne.s32 s26, $0x9FC0  }
0x18: {  	[tilespmem:s29+$0x4100] =	vst v0;
	s28 =	sadd.s32 $0x10, s28;
	s29 =	smov.u32 s26;
	s26 =	sadd.s32 $0x40, s26  }
.Ltmp0:
0x19: {  	(pc) =	sbr.rel @p1 .LBB2_2-.Ltmp0, $4  }
0x1a: {  	_ = 	snop  }
0x1b: {  	s29 =	sand.u32 $0xFE00, s29  }
0x1c: {  	s30 =	sand.u32 $0x70, s28;
	s29 =	sshrl.u32 s29, $0x2  }
0x1d: {  	s29 =	sor.u32 s30, s29  }
0x1e: {  	[tilespmem:s29+$0x4100] =	vst v0  }
0x1f: {  	[spmem:s8] =	stream.linear.scatter [tilespmem:s17], [sflag:$0x2], $0x2800, $0x38;
	[tilespmem:$0x1A900] =	vst v63  }
0x20: {  	_ =	swait.ge [sflag:s18], $0x2800  }
0x21: {  	[sflag:s18] =	ssyncset.done $0x0  }
0x22: {  	[sflag:s18] =	ssyncadd.s32 $0xFFFFD800  }
0x23: {  	[spmem:s10] =	stream.linear.scatter [tilespmem:s17], [sflag:$0x2], $0x2800, $0x38;
	[tilespmem:$0x1A900] =	vst v63  }
0x24: {  	_ =	swait.ge [sflag:s18], $0x2800  }
0x25: {  	[sflag:s18] =	ssyncset.done $0x0  }
0x26: {  	[sflag:s18] =	ssyncadd.s32 $0xFFFFD800  }
0x27: {  	[spmem:s11] =	stream.linear.scatter [tilespmem:s17], [sflag:$0x2], $0x2800, $0x38;
	[tilespmem:$0x1A900] =	vst v63  }
0x28: {  	_ =	swait.ge [sflag:s18], $0x2800  }
0x29: {  	[sflag:s18] =	ssyncset.done $0x0  }
0x2a: {  	[sflag:s18] =	ssyncadd.s32 $0xFFFFD800  }
0x2b: {  	[spmem:s12] =	stream.linear.scatter [tilespmem:s17], [sflag:$0x2], $0x2800, $0x38;
	[tilespmem:$0x1A900] =	vst v63  }
0x2c: {  	_ =	swait.ge [sflag:s18], $0x2800  }
0x2d: {  	[sflag:s18] =	ssyncset.done $0x0  }
0x2e: {  	[sflag:s18] =	ssyncadd.s32 $0xFFFFD800  }
0x2f: {  	[spmem:s13] =	stream.linear.scatter [tilespmem:s17], [sflag:$0x2], $0x2800, $0x38;
	[tilespmem:$0x1A900] =	vst v63  }
0x30: {  	_ =	swait.ge [sflag:s18], $0x2800  }
0x31: {  	[sflag:s18] =	ssyncset.done $0x0  }
0x32: {  	[sflag:s18] =	ssyncadd.s32 $0xFFFFD800  }
0x33: {  	[spmem:s14] =	stream.linear.scatter [tilespmem:s17], [sflag:$0x2], $0x2800, $0x38;
	[tilespmem:$0x1A900] =	vst v63  }
0x34: {  	_ =	swait.ge [sflag:s18], $0x2800  }
0x35: {  	[sflag:s18] =	ssyncset.done $0x0  }
0x36: {  	[sflag:s18] =	ssyncadd.s32 $0xFFFFD800  }
0x37: {  	[spmem:s15] =	stream.linear.scatter [tilespmem:s17], [sflag:$0x2], $0x2800, $0x38;
	[tilespmem:$0x1A900] =	vst v63  }
0x38: {  	_ =	swait.ge [sflag:s18], $0x2800  }
0x39: {  	[sflag:s18] =	ssyncset.done $0x0  }
0x3a: {  	[sflag:s18] =	ssyncadd.s32 $0xFFFFD800  }
0x3b: {  	[spmem:s16] =	stream.linear.scatter [tilespmem:s17], [sflag:$0x2], $0x2800, $0x38;
	[tilespmem:$0x1A900] =	vst v63  }
0x3c: {  	_ =	swait.ge [sflag:s18], $0x2800  }
0x3d: {  	[sflag:s18] =	ssyncset.done $0x0  }
0x3e: {  	s26 =	simm.s32 $0x0;
	[sflag:s18] =	ssyncadd.s32 $0xFFFFD800  }
0x3f: {  	[tilespmem:s26], [sflag:$0x2] =	stream.linear.gather [hbm4b:s5+s26], $0x3E80, $0x38;
	[tilespmem:$0x1A900] =	vst v63  }
0x40: {  	_ =	swait.ge [sflag:s18], $0x3E80  }
0x41: {  	[sflag:s18] =	ssyncset.done $0x0  }
0x42: {  	[sflag:s18] =	ssyncadd.s32 $0xFFFFC180  }
0x43: {  	s31 =	simm.s32 $0x0;
	[bflag:$0x0] =	sbarrier.arrive $0xFFFF  }
0x44: {  	v1 =	vld [tilespmem:s31+$0x0];
	_ =	sdelay $0x4  }
0x45: {  	v2 =	vand.u32 $0xFFFF, v1  }
0x46: {  	v1 =	vshrl.u32 v1, $0x10;
	[tilespmem:$0x4000] =	vst v2  }
0x47: {  	[tilespmem:$0x4080] =	vst v1  }
0x48: {  	v1 =	vld [tilespmem:s31+$0x10];
	_ =	sdelay $0x4  }
0x49: {  	v2 =	vand.u32 $0xFFFF, v1  }
0x4a: {  	v1 =	vshrl.u32 v1, $0x10;
	[tilespmem:$0x4010] =	vst v2  }
0x4b: {  	[tilespmem:$0x4090] =	vst v1  }
0x4c: {  	v1 =	vld [tilespmem:s31+$0x20];
	_ =	sdelay $0x4  }
0x4d: {  	v2 =	vand.u32 $0xFFFF, v1  }
0x4e: {  	v1 =	vshrl.u32 v1, $0x10;
	[tilespmem:$0x4020] =	vst v2  }
0x4f: {  	[tilespmem:$0x40A0] =	vst v1  }
0x50: {  	v1 =	vld [tilespmem:s31+$0x30];
	_ =	sdelay $0x4  }
0x51: {  	v2 =	vand.u32 $0xFFFF, v1  }
0x52: {  	v1 =	vshrl.u32 v1, $0x10;
	[tilespmem:$0x4030] =	vst v2  }
0x53: {  	[tilespmem:$0x40B0] =	vst v1  }
0x54: {  	v1 =	vld [tilespmem:s31+$0x40];
	_ =	sdelay $0x4  }
0x55: {  	v2 =	vand.u32 $0xFFFF, v1  }
0x56: {  	v1 =	vshrl.u32 v1, $0x10;
	[tilespmem:$0x4040] =	vst v2  }
0x57: {  	[tilespmem:$0x40C0] =	vst v1  }
0x58: {  	[tilespmem:s17], [sflag:$0x1] =	stream.indirect.gather [hbm4b:s3+s19], $0x80, s20, s19, $0xb8;
	[tilespmem:$0x1A900] =	vst v63  }
0x59: {  	s26 =	simm.s32 $0x200;
	_ =	swait.ge [sflag:s21], $0x2800  }
.LBB2_4:
0x5a: {  	p1 =	sne.s32 s26, $0xF800  }
0x5b: {  	[sflag:s21] =	ssyncset.done $0x0;
	s28 =	smov.u32 s26;
	s26 =	sadd.s32 $0x200, s26  }
0x5c: {  	[sflag:s21] =	ssyncadd.s32 $0xFFFFD800  }
0x5d: {  	[spmem:s1] =	stream.indirect.scatter.add.f32 [tilespmem:s17], [sflag:$0x2], $0x80, s22, s19, $0xb8;
	[tilespmem:$0x1A900] =	vst v63  }
0x5e: {  	_ =	swait.ge [sflag:s18], $0x2800  }
0x5f: {  	[sflag:s18] =	ssyncset.done $0x0  }
0x60: {  	s28 =	sshra.s32 s28, $0x2;
	[sflag:s18] =	ssyncadd.s32 $0xFFFFD800  }
0x61: {  	v1 =	vld [tilespmem:s28+$0x0];
	_ =	sdelay $0x4  }
0x62: {  	v2 =	vand.u32 $0xFFFF, v1;
	v1 =	vshrl.u32 v1, $0x10  }
0x63: {  	[tilespmem:$0x4000] =	vst v2  }
0x64: {  	[tilespmem:$0x4080] =	vst v1  }
0x65: {  	v1 =	vld [tilespmem:s28+$0x10];
	_ =	sdelay $0x4  }
0x66: {  	v2 =	vand.u32 $0xFFFF, v1;
	v1 =	vshrl.u32 v1, $0x10  }
0x67: {  	[tilespmem:$0x4010] =	vst v2  }
0x68: {  	[tilespmem:$0x4090] =	vst v1  }
0x69: {  	v1 =	vld [tilespmem:s28+$0x20];
	_ =	sdelay $0x4  }
0x6a: {  	v2 =	vand.u32 $0xFFFF, v1;
	v1 =	vshrl.u32 v1, $0x10  }
0x6b: {  	[tilespmem:$0x4020] =	vst v2  }
0x6c: {  	[tilespmem:$0x40A0] =	vst v1  }
0x6d: {  	v1 =	vld [tilespmem:s28+$0x30];
	_ =	sdelay $0x4  }
0x6e: {  	v2 =	vand.u32 $0xFFFF, v1;
	v1 =	vshrl.u32 v1, $0x10  }
0x6f: {  	[tilespmem:$0x4030] =	vst v2  }
0x70: {  	[tilespmem:$0x40B0] =	vst v1  }
0x71: {  	v1 =	vld [tilespmem:s28+$0x40];
	_ =	sdelay $0x4  }
.Ltmp1:
0x72: {  	v2 =	vand.u32 $0xFFFF, v1;
	v1 =	vshrl.u32 v1, $0x10;
	(pc) =	sbr.rel @p1 .LBB2_4-.Ltmp1, $4  }
0x73: {  	[tilespmem:$0x4040] =	vst v2  }
0x74: {  	[tilespmem:$0x40C0] =	vst v1  }
0x75: {  	[tilespmem:s17], [sflag:$0x1] =	stream.indirect.gather [hbm4b:s3+s19], $0x80, s20, s19, $0xb8;
	[tilespmem:$0x1A900] =	vst v63  }
0x76: {  	_ =	swait.ge [sflag:s21], $0x2800  }
0x77: {  	[sflag:s21] =	ssyncset.done $0x0  }
0x78: {  	[sflag:s21] =	ssyncadd.s32 $0xFFFFD800  }
0x79: {  	[spmem:s1] =	stream.indirect.scatter.add.f32 [tilespmem:s17], [sflag:$0x2], $0x80, s22, s19, $0xb8;
	[tilespmem:$0x1A900] =	vst v63  }
0x7a: {  	_ =	swait.ge [sflag:s18], $0x2800  }
0x7b: {  	[sflag:s18] =	ssyncset.done $0x0  }
0x7c: {  	s26 =	sshll.u32 s4, $0x6;
	[sflag:s18] =	ssyncadd.s32 $0xFFFFD800  }
0x7d: {  	s26 =	sor.u32 $0x1C02, s26;
	[bflag:$0x0] =	sbarrier.arrive $0xFFFF  }
0x7e: {  	[hbm:s6], [sflag:s26] =	dma.local [spmem:s23], $0x2700  }
0x7f: {  	_ =	swait.ge [sflag:s18], $0x2700  }
0x80: {  	s25 =	sadd.s32 $0x1, s25;
	[sflag:s18] =	ssyncset.done $0x0  }
0x81: {  	p1 =	sne.s32 s25, s9;
	[sflag:s18] =	ssyncadd.s32 $0xFFFFD900  }
0x82: {  	[hbm:s7], [sflag:s26] =	dma.local @!p0 [spmem:s24], $0x100  }
.Ltmp2:
0x83: {  	_ = 	snop;
	(pc) =	sbr.rel @p1 .LBB2_1-.Ltmp2, $4  }
0x84: {  	s26 =	simm.s32 @!p0 $0x2  }
0x85: {  	_ =	swait.ge @!p0 [sflag:s26], $0x100  }
0x86: {  	[sflag:s26] =	ssyncset.done @!p0 $0x0  }
0x87: {  	[sflag:s26] =	ssyncadd.s32 @!p0 $0xFFFFFF00  }
0x88: {  	_ =	sfence.sel $0x180000  }
0x89: {  	[bflag:$0x0] =	sbarrier.arrive $0xFFFF  }
0x8a: {  	_ =	strace $0x9000004A  }
0x8b: {  	s0 =	sadd.s32 @!p0 $0x100000, s0;
	[bflag:$0x2] =	sbarrier.arrive $0xFFFF  }
0x8c: {  	[sflag:s0] =	ssyncadd.tile.s32 @!p0 $0x1;
	_ =	shalt  }
.Lfunc_end2:
_tile_overlayer_lowered:
.L_overlay_start_2:
0x8d: {  	(tag) =	ssettag $0x2  }
0x8e: {  	s0 =	rddreg [dreg:$0x0];
	s2 =	stileid.u32  }
0x8f: {  	s1 =	rddreg [dreg:$0x1];
	p0 =	sne.s32 s2, $0x0  }
0x90: {  	s3 =	rddreg [dreg:$0x2];
	[bflag:$0x3] =	sbarrier.arrive $0xFFFF;
	s2 =	simm.s32 @!p0 $0x1C02  }
0x91: {  	[timem:s3], [sflag:s2] =	dma.local @!p0 [hbm:s0], s1  }
0x92: {  	s0 =	simm.s32 @!p0 $0x2  }
0x93: {  	_ =	swait.ge @!p0 [sflag:s0], s1  }
0x94: {  	s1 =	ssub.s32 @!p0 $0x0, s1;
	[sflag:s0] =	ssyncset.done @!p0 $0x0  }
0x95: {  	[sflag:s0] =	ssyncadd.s32 @!p0 s1  }
0x96: {  	[bflag:$0x3] =	sbarrier.arrive $0xFFFF  }
0x97: {  	_ =	shalt  }

// kernel: kernel.14.cloned.1.call-start
scs
__scs_entry_jumppad:
0x0: {  	(pc) =	sbr.rel $0x88, $3  }
0x1: {  	(tag) =	ssettag $0x0;
	lr =	simm.s32 $0x1  }
0x2: {  	[smem:$0x3F97] =	sst lr;
	_ =	strace $0xD0000000  }
0x3: {  	_ = 	snop  }
0x4: {  	_ = 	snop  }
0x5: {  	_ = 	snop  }
0x6: {  	_ = 	snop  }
0x7: {  	_ = 	snop  }
__scs_overlays_trampoline_lowered:
0x8: {  	[smem:$0x3FA6] =	sst s0  }
0x9: {  	[smem:$0x3FA7] =	sst s1  }
0xa: {  	[smem:$0x3FA8] =	sst s2  }
0xb: {  	[smem:$0x3FA9] =	sst s3  }
0xc: {  	[smem:$0x3FAA] =	sst s4  }
0xd: {  	[smem:$0x3FAB] =	sst s5  }
0xe: {  	[smem:$0x3FAC] =	sst s6  }
0xf: {  	[smem:$0x3FAD] =	sst s7  }
0x10: {  	[smem:$0x3FAE] =	sst s8  }
0x11: {  	[smem:$0x3FAF] =	sst s9;
	s0 =	simm.s32 @!p0 $0x0  }
0x12: {  	s1 =	sld [smem:$0x3F95];
	s0 =	simm.s32 @p0 $0x1  }
0x13: {  	[smem:$0x3FB0] =	sst s0;
	s0 =	simm.s32 @!p1 $0x0  }
0x14: {  	s2 =	sld [smem:$0x3F94];
	s0 =	simm.s32 @p1 $0x1  }
0x15: {  	[smem:$0x3FB1] =	sst s0;
	s0 =	simm.s32 @!p2 $0x0  }
0x16: {  	s3 =	sld [smem:$0x3FDB];
	s0 =	simm.s32 @p2 $0x1  }
0x17: {  	s4 =	simm.s32 $0x1BF5;
	[smem:$0x3FB3] =	sst s0  }
0x18: {  	s0 =	sld [smem:$0x3F96];
	_ =	swait.ge [sflag:s4], $0x0  }
0x19: {  	s7 =	sld [smem:$0x3F97]  }
0x1a: {  	s8 =	sadd.s32 $0xFFFFE003, lr  }
0x1b: {  	s9 =	sadd.s32 $0xFFFFFEF7, lr;
	s5 =	simm.s32 $0xFFFFFFFF;
	p2 =	slt.u32 s8, $0xFFFFF086  }
0x1c: {  	p1 =	slt.u32 s9, $0xF7A;
	s5 =	simm.s32 @!p2 $0x0  }
0x1d: {  	s5 =	simm.s32 @p1 $0x1;
	p0 =	seq.s32 s7, s2  }
0x1e: {  	s7 =	smul.u32 @!p0 $0xF7A, s2;
	p2 =	seq.s32 @!p0 s5, $0x0  }
0x1f: {  	s9 =	smul.u32 $0xF7A, s1;
	s8 =	simm.s32 @!p0 $0x1BF5;
	p2 =	por !p2, p0  }
0x20: {  	[sflag:s8] =	ssyncset.s32 @!p0 $0xFFFFF086;
	s6 =	sadd.s32 @!p0 s3, s7;
	s7 =	simm.s32 @!p0 $0x108  }
0x21: {  	s3 =	sadd.s32 s3, s9;
	s6 =	sadd.s32 @!p0 $0x88, s6;
	s7 =	simm.s32 @p2 $0x1082  }
0x22: {  	[simem:s7], [sflag:s8] =	dma.local @!p0 [hbm:s6], $0xF7A  }
0x23: {  	s9 =	sor.u32 $0xD0000000, s2;
	s6 =	simm.s32 $0x108;
	_ =	swait.ge @!p0 [sflag:s8], $0x0  }
0x24: {  	s3 =	sadd.s32 $0x88, s3;
	s6 =	simm.s32 @!p1 $0x1082;
	[sflag:s4] =	ssyncset.s32 $0xFFFFF086  }
0x25: {  	[simem:s6], [sflag:s4] =	dma.local [hbm:s3], $0xF7A  }
0x26: {  	[smem:$0x3F97] =	sst s1;
	(tag) =	ssettag s2;
	_ =	strace s9  }
0x27: {  	s1 =	sld [smem:$0x3FA7]  }
0x28: {  	s2 =	sld [smem:$0x3FA8]  }
0x29: {  	s4 =	sld [smem:$0x3FAA]  }
0x2a: {  	p0 =	seq.s32 s5, $0x0;
	s5 =	sld [smem:$0x3FAB]  }
0x2b: {  	s6 =	sld [smem:$0x3FAC]  }
0x2c: {  	s7 =	sld [smem:$0x3FAD]  }
0x2d: {  	s3 =	simm.s32 $0x108;
	s8 =	sld [smem:$0x3FAE]  }
0x2e: {  	s3 =	simm.s32 @!p0 $0x1082;
	s9 =	sld [smem:$0x3FAF]  }
0x2f: {  	lr =	sadd.s32 s0, s3;
	s0 =	sld [smem:$0x3FA6]  }
0x30: {  	s3 =	sld [smem:$0x3FA9]  }
0x31: {  	[smem:$0x3FB2] =	sst s10  }
0x32: {  	s10 =	sld [smem:$0x3FB0];
	_ =	sdelay $0x3  }
0x33: {  	p0 =	seq.s32 s10, $0x1;
	s10 =	sld [smem:$0x3FB2];
	_ =	sdelay $0x3  }
0x34: {  	[smem:$0x3FB2] =	sst s10  }
0x35: {  	s10 =	sld [smem:$0x3FB1];
	_ =	sdelay $0x3  }
0x36: {  	p1 =	seq.s32 s10, $0x1;
	s10 =	sld [smem:$0x3FB2];
	_ =	sdelay $0x3  }
0x37: {  	[smem:$0x3FB2] =	sst s10  }
0x38: {  	s10 =	sld [smem:$0x3FB3]  }
0x39: {  	_ = 	snop;
	(pc) =	sbr.ind lr, $3  }
0x3a: {  	_ = 	snop  }
0x3b: {  	_ = 	snop  }
0x3c: {  	p2 =	seq.s32 s10, $0x1;
	s10 =	sld [smem:$0x3FB2]  }
0x3d: {  	_ =	shalt  }
0x3e: {  	_ =	shalt  }
0x3f: {  	_ =	shalt  }
0x40: {  	_ =	shalt  }
0x41: {  	_ =	shalt  }
0x42: {  	_ =	shalt  }
0x43: {  	_ =	shalt  }
0x44: {  	_ =	shalt  }
0x45: {  	_ =	shalt  }
0x46: {  	_ =	shalt  }
0x47: {  	_ =	shalt  }
0x48: {  	_ =	shalt  }
0x49: {  	_ =	shalt  }
0x4a: {  	_ =	shalt  }
0x4b: {  	_ =	shalt  }
0x4c: {  	_ =	shalt  }
0x4d: {  	_ =	shalt  }
0x4e: {  	_ =	shalt  }
0x4f: {  	_ =	shalt  }
0x50: {  	_ =	shalt  }
0x51: {  	_ =	shalt  }
0x52: {  	_ =	shalt  }
0x53: {  	_ =	shalt  }
0x54: {  	_ =	shalt  }
0x55: {  	_ =	shalt  }
0x56: {  	_ =	shalt  }
0x57: {  	_ =	shalt  }
0x58: {  	_ =	shalt  }
0x59: {  	_ =	shalt  }
0x5a: {  	_ =	shalt  }
0x5b: {  	_ =	shalt  }
0x5c: {  	_ =	shalt  }
0x5d: {  	_ =	shalt  }
0x5e: {  	_ =	shalt  }
0x5f: {  	_ =	shalt  }
0x60: {  	_ =	shalt  }
0x61: {  	_ =	shalt  }
0x62: {  	_ =	shalt  }
0x63: {  	_ =	shalt  }
0x64: {  	_ =	shalt  }
0x65: {  	_ =	shalt  }
0x66: {  	_ =	shalt  }
0x67: {  	_ =	shalt  }
0x68: {  	_ =	shalt  }
0x69: {  	_ =	shalt  }
0x6a: {  	_ =	shalt  }
0x6b: {  	_ =	shalt  }
0x6c: {  	_ =	shalt  }
0x6d: {  	_ =	shalt  }
0x6e: {  	_ =	shalt  }
0x6f: {  	_ =	shalt  }
0x70: {  	_ =	shalt  }
0x71: {  	_ =	shalt  }
0x72: {  	_ =	shalt  }
0x73: {  	_ =	shalt  }
0x74: {  	_ =	shalt  }
0x75: {  	_ =	shalt  }
0x76: {  	_ =	shalt  }
0x77: {  	_ =	shalt  }
0x78: {  	_ =	shalt  }
0x79: {  	_ =	shalt  }
0x7a: {  	_ =	shalt  }
0x7b: {  	_ =	shalt  }
0x7c: {  	_ =	shalt  }
0x7d: {  	_ =	shalt  }
0x7e: {  	_ =	shalt  }
0x7f: {  	_ =	shalt  }
0x80: {  	_ =	shalt  }
0x81: {  	_ =	shalt  }
0x82: {  	_ =	shalt  }
0x83: {  	_ =	shalt  }
0x84: {  	_ =	shalt  }
0x85: {  	_ =	shalt  }
0x86: {  	_ =	shalt  }
0x87: {  	_ =	shalt  }
.Lfunc_end0:
.L_simem_size_0:
called_computation.2_lowered:
.L_overlay_start_0:
0x88: {  	s2 =	sld [smem:$0x3FD9]  }
0x89: {  	s3 =	sld [smem:$0x3FFE];
	_ =	sdelay $0x1  }
0x8a: {  	s1 =	srdreg.scid  }
0x8b: {  	s0 =	sand.u32 $0x1, s1  }
0x8c: {  	s16 =	sshll.u32 s0, $0xA;
	s2 =	sadd.s32 s3, s2  }
0x8d: {  	s2 =	sadd.s32 s2, s16  }
0x8e: {  	[smem:$0x3FBE] =	sst s2  }
0x8f: {  	_ = 	snop  }
0x90: {  	(tm) =	ssettm $0x1  }
0x91: {  	s17 =	sld [smem:$0x3FFB];
	_ =	sdelay $0x3  }
0x92: {  	_ =	strace s17  }
0x93: {  	s2 =	sld [smem:$0x3FFC];
	_ =	sdelay $0x3  }
0x94: {  	_ =	strace s2  }
0x95: {  	s2 =	sld [smem:$0x3FFD];
	_ =	sdelay $0x3  }
0x96: {  	_ =	strace s2  }
0x97: {  	_ =	strace $0x8FFFFFFF  }
0x98: {  	s18 =	sld [smem:$0x3FDB];
	_ =	sdelay $0x1  }
0x99: {  	s19 =	simm.s32 $_scs_section_size  }
0x9a: {  	s4 =	simm.s32 $_size__tile_overlayer_lowered;
	s5 =	simm.s32 $_tile_overlayer_lowered  }
0x9b: {  	s22 =	simm.s32 $0x1BFF;
	s21 =	sshll.u32 s5, $0x1;
	s2 =	sadd.s32 s19, s18  }
0x9c: {  	s6 =	simm.s32 $0x0;
	s20 =	sshll.u32 s4, $0x1;
	s4 =	sadd.s32 s21, s2  }
0x9d: {  	[timem:s6], [sflag:s22] =	dma.local [hbm:s4], s20  }
0x9e: {  	_ =	swait.ge [sflag:s22], s20  }
0x9f: {  	s3 =	ssub.s32 $0x0, s20;
	[sflag:s22] =	ssyncset.done $0x0  }
0xa0: {  	[sflag:s22] =	ssyncadd.s32 s3;
	_ =	sdelay $0x1  }
0xa1: {  	s23 =	simm.s32 $0x1B8B  }
0xa2: {  	_ =	swait.ge [sflag:s23], $0x1  }
0xa3: {  	[sflag:s23] =	ssyncset.done $0x0  }
0xa4: {  	s25 =	simm.s32 $0x1B8E;
	s24 =	sld [smem:$0x3FFE];
	[sflag:s23] =	ssyncadd.s32 $0xFFFFFFFF  }
0xa5: {  	s26 =	simm.s32 $execute0_lowered;
	[smem:$0x3FD2] =	sst s25  }
0xa6: {  	s4 =	sshll.u32 s26, $0x1;
	_ =	strace $0x8000004C;
	[dreg:$0x1] =	wrdreg $0xFFFFFFFF  }
0xa7: {  	s28 =	simm.s32 $_size_execute0_lowered;
	s2 =	sadd.s32 s2, s4;
	[dreg:$0x0] =	wrdreg $0x0  }
0xa8: {  	s4 =	sshll.u32 s28, $0x1;
	[dreg:$0x2] =	wrdreg s2  }
0xa9: {  	[dreg:$0x3] =	wrdreg s4  }
0xaa: {  	[dreg:$0x4] =	wrdreg $0xC0  }
0xab: {  	_ =	task [dreg:s6], $0x5FFFF  }
0xac: {  	[dreg:$0x1] =	wrdreg $0xFFFFFFFF  }
0xad: {  	[dreg:$0x0] =	wrdreg $0x60  }
0xae: {  	[dreg:$0x2] =	wrdreg s24  }
0xaf: {  	[dreg:$0x3] =	wrdreg $0x69000  }
0xb0: {  	[dreg:$0x4] =	wrdreg $0x9  }
0xb1: {  	_ =	task.clear_ibuf [dreg:s6], $0x5FFFF;
	_ =	strace $0x9000004C  }
0xb2: {  	s29 =	simm.s32 $0x9;
	_ =	strace $0x8000004E  }
0xb3: {  	_ =	swait.ge [sflag:s29], $0x1  }
0xb4: {  	[sflag:s29] =	ssyncadd.s32 $0xFFFFFFFF  }
0xb5: {  	_ =	strace $0x9000004E  }
0xb6: {  	_ =	sfence  }
0xb7: {  	s30 =	sld [smem:$0x0];
	_ =	sdelay $0x2  }
0xb8: {  	s31 =	sshll.u32 s1, $0xD;
	s1 =	sshrl.u32 s1, $0x2  }
0xb9: {  	s3 =	sand.u32 $0x4000, s31;
	s1 =	sadd.s32 s1, s30  }
0xba: {  	s0 =	sor.u32 s3, s0;
	s1 =	sshll.u32 s1, $0x11  }
0xbb: {  	s0 =	sor.u32 s1, s0  }
0xbc: {  	s0 =	sadd.s32 $0x8F2B, s0  }
0xbd: {  	[sflag:s0] =	ssyncadd.remote.s32 $0x1  }
0xbe: {  	_ =	sfence.sel $0xFFFF  }
0xbf: {  	[dreg:$0x0] =	wrdreg $0xFFFFFFFF;
	(pc) =	sbr.abs _section_cstart, $3  }
0xc0: {  	[dreg:$0x1] =	wrdreg $0xFFFFFFFF  }
0xc1: {  	_ =	task.clear_ibuf [dreg:s6], $0x2FFFF;
	_ =	strace $0x9FFFFFFF  }
0xc2: {  	(tm) =	ssettm $0x7FFFFFFF  }
0xc3: {  	_ =	shalt  }
tec
execute0_lowered:
.L_overlay_start_1:
0x0: {  	(tag) =	ssettag $0x1  }
0x1: {  	s5 =	rddreg [dreg:$0x0]  }
0x2: {  	s1 =	rddreg [dreg:$0x1]  }
0x3: {  	s0 =	rddreg [dreg:$0x2];
	s2 =	simm.s32 $0x0  }
0x4: {  	s6 =	srdreg.scid;
	s4 =	stileid.u32;
	s17 =	simm.s32 $0x4100  }
0x5: {  	s18 =	simm.s32 $0x2;
	s19 =	simm.s32 $0x50;
	s20 =	simm.s32 $0x4000  }
0x6: {  	s21 =	simm.s32 $0x1;
	s22 =	simm.s32 $0x4080;
	s25 =	simm.s32 $0x0  }
0x7: {  	[smem:$0x7FF] =	sst s2;
	s3 =	sadd.s32 $0x60A00, s5;
	s11 =	smul.u32 $0x13800, s4  }
0x8: {  	s6 =	sand.u32 $0x1, s6;
	s7 =	sshll.u32 s4, $0xB;
	s29 =	smul.u32 $0x4E000, s4  }
0x9: {  	s12 =	sadd.s32 $0x87C00, s5;
	s30 =	smul.u32 $0x50000, s4;
	s24 =	sadd.s32 $0x138000, s1  }
0xa: {  	p0 =	sne.s32 s4, $0x0;
	_ =	strace $0x8000004D;
	s8 =	ssub.s32 $0x2, s6  }
0xb: {  	s9 =	smul.u32 $0x138800, s6;
	s7 =	sadd.s32 s7, s5;
	s26 =	sshll.u32 s6, $0xF  }
0xc: {  	s24 =	sshrl.u32 @!p0 s24, $0x3;
	s10 =	sshrl.u32 s8, $0x1;
	s5 =	sadd.s32 s26, s7  }
0xd: {  	s7 =	sshrl.u32 s29, $0x2;
	s10 =	ssub.s32 s8, s10;
	s28 =	sadd.s32 s11, s9  }
0xe: {  	s5 =	sadd.s32 $0x2800, s5;
	s9 =	sshrl.u32 s9, $0x3;
	s23 =	sadd.s32 s7, s1  }
0xf: {  	s8 =	sshrl.u32 s30, $0x2;
	s6 =	sshrl.u32 s28, $0x3;
	s31 =	sadd.s32 s12, s9  }
0x10: {  	s8 =	sadd.s32 s8, s1;
	s9 =	smax.u32 s10, $0x1;
	s23 =	sshrl.u32 s23, $0x3  }
0x11: {  	s6 =	sadd.s32 s12, s6;
	s7 =	sadd.s32 $0x27000, s31;
	s10 =	sadd.s32 $0x2800, s8  }
0x12: {  	s11 =	sadd.s32 $0x5000, s8;
	s12 =	sadd.s32 $0x7800, s8;
	s13 =	sadd.s32 $0xA000, s8  }
0x13: {  	v0 =	vimm.f32 $0.0e+00;
	s14 =	sadd.s32 $0xC800, s8;
	s15 =	sadd.s32 $0xF000, s8;
	s16 =	sadd.s32 $0x11800, s8  }
.LBB2_1:
0x14: {  	s26 =	sand.u32 $0xFE00, s2  }
0x15: {  	s28 =	sand.u32 $0x70, s2;
	s29 =	sshrl.u32 s26, $0x2  }
0x16: {  	s26 =	simm.s32 $0x40;
	s29 =	sor.u32 s28, s29;
	s28 =	simm.s32 $0x0  }
.LBB2_2:
0x17: {  	p1 =	sne.s32 s26, $0x9FC0  }
0x18: {  	[tilespmem:s29+$0x4100] =	vst v0;
	s28 =	sadd.s32 $0x10, s28;
	s29 =	smov.u32 s26;
	s26 =	sadd.s32 $0x40, s26  }
.Ltmp0:
0x19: {  	(pc) =	sbr.rel @p1 .LBB2_2-.Ltmp0, $4  }
0x1a: {  	_ = 	snop  }
0x1b: {  	s29 =	sand.u32 $0xFE00, s29  }
0x1c: {  	s30 =	sand.u32 $0x70, s28;
	s29 =	sshrl.u32 s29, $0x2  }
0x1d: {  	s29 =	sor.u32 s30, s29  }
0x1e: {  	[tilespmem:s29+$0x4100] =	vst v0  }
0x1f: {  	[spmem:s8] =	stream.linear.scatter [tilespmem:s17], [sflag:$0x2], $0x2800, $0x38;
	[tilespmem:$0x1A900] =	vst v63  }
0x20: {  	_ =	swait.ge [sflag:s18], $0x2800  }
0x21: {  	[sflag:s18] =	ssyncset.done $0x0  }
0x22: {  	[sflag:s18] =	ssyncadd.s32 $0xFFFFD800  }
0x23: {  	[spmem:s10] =	stream.linear.scatter [tilespmem:s17], [sflag:$0x2], $0x2800, $0x38;
	[tilespmem:$0x1A900] =	vst v63  }
0x24: {  	_ =	swait.ge [sflag:s18], $0x2800  }
0x25: {  	[sflag:s18] =	ssyncset.done $0x0  }
0x26: {  	[sflag:s18] =	ssyncadd.s32 $0xFFFFD800  }
0x27: {  	[spmem:s11] =	stream.linear.scatter [tilespmem:s17], [sflag:$0x2], $0x2800, $0x38;
	[tilespmem:$0x1A900] =	vst v63  }
0x28: {  	_ =	swait.ge [sflag:s18], $0x2800  }
0x29: {  	[sflag:s18] =	ssyncset.done $0x0  }
0x2a: {  	[sflag:s18] =	ssyncadd.s32 $0xFFFFD800  }
0x2b: {  	[spmem:s12] =	stream.linear.scatter [tilespmem:s17], [sflag:$0x2], $0x2800, $0x38;
	[tilespmem:$0x1A900] =	vst v63  }
0x2c: {  	_ =	swait.ge [sflag:s18], $0x2800  }
0x2d: {  	[sflag:s18] =	ssyncset.done $0x0  }
0x2e: {  	[sflag:s18] =	ssyncadd.s32 $0xFFFFD800  }
0x2f: {  	[spmem:s13] =	stream.linear.scatter [tilespmem:s17], [sflag:$0x2], $0x2800, $0x38;
	[tilespmem:$0x1A900] =	vst v63  }
0x30: {  	_ =	swait.ge [sflag:s18], $0x2800  }
0x31: {  	[sflag:s18] =	ssyncset.done $0x0  }
0x32: {  	[sflag:s18] =	ssyncadd.s32 $0xFFFFD800  }
0x33: {  	[spmem:s14] =	stream.linear.scatter [tilespmem:s17], [sflag:$0x2], $0x2800, $0x38;
	[tilespmem:$0x1A900] =	vst v63  }
0x34: {  	_ =	swait.ge [sflag:s18], $0x2800  }
0x35: {  	[sflag:s18] =	ssyncset.done $0x0  }
0x36: {  	[sflag:s18] =	ssyncadd.s32 $0xFFFFD800  }
0x37: {  	[spmem:s15] =	stream.linear.scatter [tilespmem:s17], [sflag:$0x2], $0x2800, $0x38;
	[tilespmem:$0x1A900] =	vst v63  }
0x38: {  	_ =	swait.ge [sflag:s18], $0x2800  }
0x39: {  	[sflag:s18] =	ssyncset.done $0x0  }
0x3a: {  	[sflag:s18] =	ssyncadd.s32 $0xFFFFD800  }
0x3b: {  	[spmem:s16] =	stream.linear.scatter [tilespmem:s17], [sflag:$0x2], $0x2800, $0x38;
	[tilespmem:$0x1A900] =	vst v63  }
0x3c: {  	_ =	swait.ge [sflag:s18], $0x2800  }
0x3d: {  	[sflag:s18] =	ssyncset.done $0x0  }
0x3e: {  	s26 =	simm.s32 $0x0;
	[sflag:s18] =	ssyncadd.s32 $0xFFFFD800  }
0x3f: {  	[tilespmem:s26], [sflag:$0x2] =	stream.linear.gather [hbm4b:s5+s26], $0x3E80, $0x38;
	[tilespmem:$0x1A900] =	vst v63  }
0x40: {  	_ =	swait.ge [sflag:s18], $0x3E80  }
0x41: {  	[sflag:s18] =	ssyncset.done $0x0  }
0x42: {  	[sflag:s18] =	ssyncadd.s32 $0xFFFFC180  }
0x43: {  	s31 =	simm.s32 $0x0;
	[bflag:$0x0] =	sbarrier.arrive $0xFFFF  }
0x44: {  	v1 =	vld [tilespmem:s31+$0x0];
	_ =	sdelay $0x4  }
0x45: {  	v2 =	vand.u32 $0xFFFF, v1  }
0x46: {  	v1 =	vshrl.u32 v1, $0x10;
	[tilespmem:$0x4000] =	vst v2  }
0x47: {  	[tilespmem:$0x4080] =	vst v1  }
0x48: {  	v1 =	vld [tilespmem:s31+$0x10];
	_ =	sdelay $0x4  }
0x49: {  	v2 =	vand.u32 $0xFFFF, v1  }
0x4a: {  	v1 =	vshrl.u32 v1, $0x10;
	[tilespmem:$0x4010] =	vst v2  }
0x4b: {  	[tilespmem:$0x4090] =	vst v1  }
0x4c: {  	v1 =	vld [tilespmem:s31+$0x20];
	_ =	sdelay $0x4  }
0x4d: {  	v2 =	vand.u32 $0xFFFF, v1  }
0x4e: {  	v1 =	vshrl.u32 v1, $0x10;
	[tilespmem:$0x4020] =	vst v2  }
0x4f: {  	[tilespmem:$0x40A0] =	vst v1  }
0x50: {  	v1 =	vld [tilespmem:s31+$0x30];
	_ =	sdelay $0x4  }
0x51: {  	v2 =	vand.u32 $0xFFFF, v1  }
0x52: {  	v1 =	vshrl.u32 v1, $0x10;
	[tilespmem:$0x4030] =	vst v2  }
0x53: {  	[tilespmem:$0x40B0] =	vst v1  }
0x54: {  	v1 =	vld [tilespmem:s31+$0x40];
	_ =	sdelay $0x4  }
0x55: {  	v2 =	vand.u32 $0xFFFF, v1  }
0x56: {  	v1 =	vshrl.u32 v1, $0x10;
	[tilespmem:$0x4040] =	vst v2  }
0x57: {  	[tilespmem:$0x40C0] =	vst v1  }
0x58: {  	[tilespmem:s17], [sflag:$0x1] =	stream.indirect.gather [hbm4b:s3+s19], $0x80, s20, s19, $0xb8;
	[tilespmem:$0x1A900] =	vst v63  }
0x59: {  	s26 =	simm.s32 $0x200;
	_ =	swait.ge [sflag:s21], $0x2800  }
.LBB2_4:
0x5a: {  	p1 =	sne.s32 s26, $0xF800  }
0x5b: {  	[sflag:s21] =	ssyncset.done $0x0;
	s28 =	smov.u32 s26;
	s26 =	sadd.s32 $0x200, s26  }
0x5c: {  	[sflag:s21] =	ssyncadd.s32 $0xFFFFD800  }
0x5d: {  	[spmem:s1] =	stream.indirect.scatter.add.f32 [tilespmem:s17], [sflag:$0x2], $0x80, s22, s19, $0xb8;
	[tilespmem:$0x1A900] =	vst v63  }
0x5e: {  	_ =	swait.ge [sflag:s18], $0x2800  }
0x5f: {  	[sflag:s18] =	ssyncset.done $0x0  }
0x60: {  	s28 =	sshra.s32 s28, $0x2;
	[sflag:s18] =	ssyncadd.s32 $0xFFFFD800  }
0x61: {  	v1 =	vld [tilespmem:s28+$0x0];
	_ =	sdelay $0x4  }
0x62: {  	v2 =	vand.u32 $0xFFFF, v1;
	v1 =	vshrl.u32 v1, $0x10  }
0x63: {  	[tilespmem:$0x4000] =	vst v2  }
0x64: {  	[tilespmem:$0x4080] =	vst v1  }
0x65: {  	v1 =	vld [tilespmem:s28+$0x10];
	_ =	sdelay $0x4  }
0x66: {  	v2 =	vand.u32 $0xFFFF, v1;
	v1 =	vshrl.u32 v1, $0x10  }
0x67: {  	[tilespmem:$0x4010] =	vst v2  }
0x68: {  	[tilespmem:$0x4090] =	vst v1  }
0x69: {  	v1 =	vld [tilespmem:s28+$0x20];
	_ =	sdelay $0x4  }
0x6a: {  	v2 =	vand.u32 $0xFFFF, v1;
	v1 =	vshrl.u32 v1, $0x10  }
0x6b: {  	[tilespmem:$0x4020] =	vst v2  }
0x6c: {  	[tilespmem:$0x40A0] =	vst v1  }
0x6d: {  	v1 =	vld [tilespmem:s28+$0x30];
	_ =	sdelay $0x4  }
0x6e: {  	v2 =	vand.u32 $0xFFFF, v1;
	v1 =	vshrl.u32 v1, $0x10  }
0x6f: {  	[tilespmem:$0x4030] =	vst v2  }
0x70: {  	[tilespmem:$0x40B0] =	vst v1  }
0x71: {  	v1 =	vld [tilespmem:s28+$0x40];
	_ =	sdelay $0x4  }
.Ltmp1:
0x72: {  	v2 =	vand.u32 $0xFFFF, v1;
	v1 =	vshrl.u32 v1, $0x10;
	(pc) =	sbr.rel @p1 .LBB2_4-.Ltmp1, $4  }
0x73: {  	[tilespmem:$0x4040] =	vst v2  }
0x74: {  	[tilespmem:$0x40C0] =	vst v1  }
0x75: {  	[tilespmem:s17], [sflag:$0x1] =	stream.indirect.gather [hbm4b:s3+s19], $0x80, s20, s19, $0xb8;
	[tilespmem:$0x1A900] =	vst v63  }
0x76: {  	_ =	swait.ge [sflag:s21], $0x2800  }
0x77: {  	[sflag:s21] =	ssyncset.done $0x0  }
0x78: {  	[sflag:s21] =	ssyncadd.s32 $0xFFFFD800  }
0x79: {  	[spmem:s1] =	stream.indirect.scatter.add.f32 [tilespmem:s17], [sflag:$0x2], $0x80, s22, s19, $0xb8;
	[tilespmem:$0x1A900] =	vst v63  }
0x7a: {  	_ =	swait.ge [sflag:s18], $0x2800  }
0x7b: {  	[sflag:s18] =	ssyncset.done $0x0  }
0x7c: {  	s26 =	sshll.u32 s4, $0x6;
	[sflag:s18] =	ssyncadd.s32 $0xFFFFD800  }
0x7d: {  	s26 =	sor.u32 $0x1C02, s26;
	[bflag:$0x0] =	sbarrier.arrive $0xFFFF  }
0x7e: {  	[hbm:s6], [sflag:s26] =	dma.local [spmem:s23], $0x2700  }
0x7f: {  	_ =	swait.ge [sflag:s18], $0x2700  }
0x80: {  	s25 =	sadd.s32 $0x1, s25;
	[sflag:s18] =	ssyncset.done $0x0  }
0x81: {  	p1 =	sne.s32 s25, s9;
	[sflag:s18] =	ssyncadd.s32 $0xFFFFD900  }
0x82: {  	[hbm:s7], [sflag:s26] =	dma.local @!p0 [spmem:s24], $0x100  }
.Ltmp2:
0x83: {  	_ = 	snop;
	(pc) =	sbr.rel @p1 .LBB2_1-.Ltmp2, $4  }
0x84: {  	s26 =	simm.s32 @!p0 $0x2  }
0x85: {  	_ =	swait.ge @!p0 [sflag:s26], $0x100  }
0x86: {  	[sflag:s26] =	ssyncset.done @!p0 $0x0  }
0x87: {  	[sflag:s26] =	ssyncadd.s32 @!p0 $0xFFFFFF00  }
0x88: {  	_ =	sfence.sel $0x180000  }
0x89: {  	[bflag:$0x0] =	sbarrier.arrive $0xFFFF  }
0x8a: {  	_ =	strace $0x9000004D  }
0x8b: {  	s0 =	sadd.s32 @!p0 $0x100000, s0;
	[bflag:$0x2] =	sbarrier.arrive $0xFFFF  }
0x8c: {  	[sflag:s0] =	ssyncadd.tile.s32 @!p0 $0x1;
	_ =	shalt  }
.Lfunc_end2:
_tile_overlayer_lowered:
.L_overlay_start_2:
0x8d: {  	(tag) =	ssettag $0x2  }
0x8e: {  	s0 =	rddreg [dreg:$0x0];
	s2 =	stileid.u32  }
0x8f: {  	s1 =	rddreg [dreg:$0x1];
	p0 =	sne.s32 s2, $0x0  }
0x90: {  	s3 =	rddreg [dreg:$0x2];
	[bflag:$0x3] =	sbarrier.arrive $0xFFFF;
	s2 =	simm.s32 @!p0 $0x1C02  }
0x91: {  	[timem:s3], [sflag:s2] =	dma.local @!p0 [hbm:s0], s1  }
0x92: {  	s0 =	simm.s32 @!p0 $0x2  }
0x93: {  	_ =	swait.ge @!p0 [sflag:s0], s1  }
0x94: {  	s1 =	ssub.s32 @!p0 $0x0, s1;
	[sflag:s0] =	ssyncset.done @!p0 $0x0  }
0x95: {  	[sflag:s0] =	ssyncadd.s32 @!p0 s1  }
0x96: {  	[bflag:$0x3] =	sbarrier.arrive $0xFFFF  }
0x97: {  	_ =	shalt  }

// kernel: kernel.8.cloned.1.call-start
scs
__scs_entry_jumppad:
0x0: {  	(pc) =	sbr.rel $0x88, $3  }
0x1: {  	(tag) =	ssettag $0x0;
	lr =	simm.s32 $0x1  }
0x2: {  	[smem:$0x3F97] =	sst lr;
	_ =	strace $0xD0000000  }
0x3: {  	_ = 	snop  }
0x4: {  	_ = 	snop  }
0x5: {  	_ = 	snop  }
0x6: {  	_ = 	snop  }
0x7: {  	_ = 	snop  }
__scs_overlays_trampoline_lowered:
0x8: {  	[smem:$0x3FA6] =	sst s0  }
0x9: {  	[smem:$0x3FA7] =	sst s1  }
0xa: {  	[smem:$0x3FA8] =	sst s2  }
0xb: {  	[smem:$0x3FA9] =	sst s3  }
0xc: {  	[smem:$0x3FAA] =	sst s4  }
0xd: {  	[smem:$0x3FAB] =	sst s5  }
0xe: {  	[smem:$0x3FAC] =	sst s6  }
0xf: {  	[smem:$0x3FAD] =	sst s7  }
0x10: {  	[smem:$0x3FAE] =	sst s8  }
0x11: {  	[smem:$0x3FAF] =	sst s9;
	s0 =	simm.s32 @!p0 $0x0  }
0x12: {  	s1 =	sld [smem:$0x3F95];
	s0 =	simm.s32 @p0 $0x1  }
0x13: {  	[smem:$0x3FB0] =	sst s0;
	s0 =	simm.s32 @!p1 $0x0  }
0x14: {  	s2 =	sld [smem:$0x3F94];
	s0 =	simm.s32 @p1 $0x1  }
0x15: {  	[smem:$0x3FB1] =	sst s0;
	s0 =	simm.s32 @!p2 $0x0  }
0x16: {  	s3 =	sld [smem:$0x3FDB];
	s0 =	simm.s32 @p2 $0x1  }
0x17: {  	s4 =	simm.s32 $0x1BF5;
	[smem:$0x3FB3] =	sst s0  }
0x18: {  	s0 =	sld [smem:$0x3F96];
	_ =	swait.ge [sflag:s4], $0x0  }
0x19: {  	s7 =	sld [smem:$0x3F97]  }
0x1a: {  	s8 =	sadd.s32 $0xFFFFE003, lr  }
0x1b: {  	s9 =	sadd.s32 $0xFFFFFEF7, lr;
	s5 =	simm.s32 $0xFFFFFFFF;
	p2 =	slt.u32 s8, $0xFFFFF086  }
0x1c: {  	p1 =	slt.u32 s9, $0xF7A;
	s5 =	simm.s32 @!p2 $0x0  }
0x1d: {  	s5 =	simm.s32 @p1 $0x1;
	p0 =	seq.s32 s7, s2  }
0x1e: {  	s7 =	smul.u32 @!p0 $0xF7A, s2;
	p2 =	seq.s32 @!p0 s5, $0x0  }
0x1f: {  	s9 =	smul.u32 $0xF7A, s1;
	s8 =	simm.s32 @!p0 $0x1BF5;
	p2 =	por !p2, p0  }
0x20: {  	[sflag:s8] =	ssyncset.s32 @!p0 $0xFFFFF086;
	s6 =	sadd.s32 @!p0 s3, s7;
	s7 =	simm.s32 @!p0 $0x108  }
0x21: {  	s3 =	sadd.s32 s3, s9;
	s6 =	sadd.s32 @!p0 $0x88, s6;
	s7 =	simm.s32 @p2 $0x1082  }
0x22: {  	[simem:s7], [sflag:s8] =	dma.local @!p0 [hbm:s6], $0xF7A  }
0x23: {  	s9 =	sor.u32 $0xD0000000, s2;
	s6 =	simm.s32 $0x108;
	_ =	swait.ge @!p0 [sflag:s8], $0x0  }
0x24: {  	s3 =	sadd.s32 $0x88, s3;
	s6 =	simm.s32 @!p1 $0x1082;
	[sflag:s4] =	ssyncset.s32 $0xFFFFF086  }
0x25: {  	[simem:s6], [sflag:s4] =	dma.local [hbm:s3], $0xF7A  }
0x26: {  	[smem:$0x3F97] =	sst s1;
	(tag) =	ssettag s2;
	_ =	strace s9  }
0x27: {  	s1 =	sld [smem:$0x3FA7]  }
0x28: {  	s2 =	sld [smem:$0x3FA8]  }
0x29: {  	s4 =	sld [smem:$0x3FAA]  }
0x2a: {  	p0 =	seq.s32 s5, $0x0;
	s5 =	sld [smem:$0x3FAB]  }
0x2b: {  	s6 =	sld [smem:$0x3FAC]  }
0x2c: {  	s7 =	sld [smem:$0x3FAD]  }
0x2d: {  	s3 =	simm.s32 $0x108;
	s8 =	sld [smem:$0x3FAE]  }
0x2e: {  	s3 =	simm.s32 @!p0 $0x1082;
	s9 =	sld [smem:$0x3FAF]  }
0x2f: {  	lr =	sadd.s32 s0, s3;
	s0 =	sld [smem:$0x3FA6]  }
0x30: {  	s3 =	sld [smem:$0x3FA9]  }
0x31: {  	[smem:$0x3FB2] =	sst s10  }
0x32: {  	s10 =	sld [smem:$0x3FB0];
	_ =	sdelay $0x3  }
0x33: {  	p0 =	seq.s32 s10, $0x1;
	s10 =	sld [smem:$0x3FB2];
	_ =	sdelay $0x3  }
0x34: {  	[smem:$0x3FB2] =	sst s10  }
0x35: {  	s10 =	sld [smem:$0x3FB1];
	_ =	sdelay $0x3  }
0x36: {  	p1 =	seq.s32 s10, $0x1;
	s10 =	sld [smem:$0x3FB2];
	_ =	sdelay $0x3  }
0x37: {  	[smem:$0x3FB2] =	sst s10  }
0x38: {  	s10 =	sld [smem:$0x3FB3]  }
0x39: {  	_ = 	snop;
	(pc) =	sbr.ind lr, $3  }
0x3a: {  	_ = 	snop  }
0x3b: {  	_ = 	snop  }
0x3c: {  	p2 =	seq.s32 s10, $0x1;
	s10 =	sld [smem:$0x3FB2]  }
0x3d: {  	_ =	shalt  }
0x3e: {  	_ =	shalt  }
0x3f: {  	_ =	shalt  }
0x40: {  	_ =	shalt  }
0x41: {  	_ =	shalt  }
0x42: {  	_ =	shalt  }
0x43: {  	_ =	shalt  }
0x44: {  	_ =	shalt  }
0x45: {  	_ =	shalt  }
0x46: {  	_ =	shalt  }
0x47: {  	_ =	shalt  }
0x48: {  	_ =	shalt  }
0x49: {  	_ =	shalt  }
0x4a: {  	_ =	shalt  }
0x4b: {  	_ =	shalt  }
0x4c: {  	_ =	shalt  }
0x4d: {  	_ =	shalt  }
0x4e: {  	_ =	shalt  }
0x4f: {  	_ =	shalt  }
0x50: {  	_ =	shalt  }
0x51: {  	_ =	shalt  }
0x52: {  	_ =	shalt  }
0x53: {  	_ =	shalt  }
0x54: {  	_ =	shalt  }
0x55: {  	_ =	shalt  }
0x56: {  	_ =	shalt  }
0x57: {  	_ =	shalt  }
0x58: {  	_ =	shalt  }
0x59: {  	_ =	shalt  }
0x5a: {  	_ =	shalt  }
0x5b: {  	_ =	shalt  }
0x5c: {  	_ =	shalt  }
0x5d: {  	_ =	shalt  }
0x5e: {  	_ =	shalt  }
0x5f: {  	_ =	shalt  }
0x60: {  	_ =	shalt  }
0x61: {  	_ =	shalt  }
0x62: {  	_ =	shalt  }
0x63: {  	_ =	shalt  }
0x64: {  	_ =	shalt  }
0x65: {  	_ =	shalt  }
0x66: {  	_ =	shalt  }
0x67: {  	_ =	shalt  }
0x68: {  	_ =	shalt  }
0x69: {  	_ =	shalt  }
0x6a: {  	_ =	shalt  }
0x6b: {  	_ =	shalt  }
0x6c: {  	_ =	shalt  }
0x6d: {  	_ =	shalt  }
0x6e: {  	_ =	shalt  }
0x6f: {  	_ =	shalt  }
0x70: {  	_ =	shalt  }
0x71: {  	_ =	shalt  }
0x72: {  	_ =	shalt  }
0x73: {  	_ =	shalt  }
0x74: {  	_ =	shalt  }
0x75: {  	_ =	shalt  }
0x76: {  	_ =	shalt  }
0x77: {  	_ =	shalt  }
0x78: {  	_ =	shalt  }
0x79: {  	_ =	shalt  }
0x7a: {  	_ =	shalt  }
0x7b: {  	_ =	shalt  }
0x7c: {  	_ =	shalt  }
0x7d: {  	_ =	shalt  }
0x7e: {  	_ =	shalt  }
0x7f: {  	_ =	shalt  }
0x80: {  	_ =	shalt  }
0x81: {  	_ =	shalt  }
0x82: {  	_ =	shalt  }
0x83: {  	_ =	shalt  }
0x84: {  	_ =	shalt  }
0x85: {  	_ =	shalt  }
0x86: {  	_ =	shalt  }
0x87: {  	_ =	shalt  }
.Lfunc_end0:
.L_simem_size_0:
called_computation_lowered:
.L_overlay_start_0:
0x88: {  	s2 =	sld [smem:$0x3FD9]  }
0x89: {  	s3 =	sld [smem:$0x3FFE];
	_ =	sdelay $0x1  }
0x8a: {  	s1 =	srdreg.scid  }
0x8b: {  	s0 =	sand.u32 $0x1, s1  }
0x8c: {  	s16 =	sshll.u32 s0, $0xA;
	s2 =	sadd.s32 s3, s2  }
0x8d: {  	s2 =	sadd.s32 s2, s16  }
0x8e: {  	[smem:$0x3FBE] =	sst s2  }
0x8f: {  	_ = 	snop  }
0x90: {  	(tm) =	ssettm $0x1  }
0x91: {  	s17 =	sld [smem:$0x3FFB];
	_ =	sdelay $0x3  }
0x92: {  	_ =	strace s17  }
0x93: {  	s2 =	sld [smem:$0x3FFC];
	_ =	sdelay $0x3  }
0x94: {  	_ =	strace s2  }
0x95: {  	s2 =	sld [smem:$0x3FFD];
	_ =	sdelay $0x3  }
0x96: {  	_ =	strace s2  }
0x97: {  	_ =	strace $0x8FFFFFFF  }
0x98: {  	s18 =	sld [smem:$0x3FDB];
	_ =	sdelay $0x1  }
0x99: {  	s19 =	simm.s32 $_scs_section_size  }
0x9a: {  	s4 =	simm.s32 $_size__tile_overlayer_lowered;
	s5 =	simm.s32 $_tile_overlayer_lowered  }
0x9b: {  	s22 =	simm.s32 $0x1BFF;
	s21 =	sshll.u32 s5, $0x1;
	s2 =	sadd.s32 s19, s18  }
0x9c: {  	s6 =	simm.s32 $0x0;
	s20 =	sshll.u32 s4, $0x1;
	s4 =	sadd.s32 s21, s2  }
0x9d: {  	[timem:s6], [sflag:s22] =	dma.local [hbm:s4], s20  }
0x9e: {  	_ =	swait.ge [sflag:s22], s20  }
0x9f: {  	s3 =	ssub.s32 $0x0, s20;
	[sflag:s22] =	ssyncset.done $0x0  }
0xa0: {  	[sflag:s22] =	ssyncadd.s32 s3;
	_ =	sdelay $0x1  }
0xa1: {  	s23 =	simm.s32 $0x1B8B  }
0xa2: {  	_ =	swait.ge [sflag:s23], $0x1  }
0xa3: {  	[sflag:s23] =	ssyncset.done $0x0  }
0xa4: {  	s25 =	simm.s32 $0x1B8E;
	s24 =	sld [smem:$0x3FFE];
	[sflag:s23] =	ssyncadd.s32 $0xFFFFFFFF  }
0xa5: {  	s26 =	simm.s32 $execute0_lowered;
	[smem:$0x3FD2] =	sst s25  }
0xa6: {  	s4 =	sshll.u32 s26, $0x1;
	_ =	strace $0x80000046;
	[dreg:$0x1] =	wrdreg $0xFFFFFFFF  }
0xa7: {  	s28 =	simm.s32 $_size_execute0_lowered;
	s2 =	sadd.s32 s2, s4;
	[dreg:$0x0] =	wrdreg $0x0  }
0xa8: {  	s4 =	sshll.u32 s28, $0x1;
	[dreg:$0x2] =	wrdreg s2  }
0xa9: {  	[dreg:$0x3] =	wrdreg s4  }
0xaa: {  	[dreg:$0x4] =	wrdreg $0xC0  }
0xab: {  	_ =	task [dreg:s6], $0x5FFFF  }
0xac: {  	[dreg:$0x1] =	wrdreg $0xFFFFFFFF  }
0xad: {  	[dreg:$0x0] =	wrdreg $0x60  }
0xae: {  	[dreg:$0x2] =	wrdreg s24  }
0xaf: {  	[dreg:$0x3] =	wrdreg $0xA8800  }
0xb0: {  	[dreg:$0x4] =	wrdreg $0x9  }
0xb1: {  	_ =	task.clear_ibuf [dreg:s6], $0x5FFFF;
	_ =	strace $0x90000046  }
0xb2: {  	s29 =	simm.s32 $0x9;
	_ =	strace $0x80000048  }
0xb3: {  	_ =	swait.ge [sflag:s29], $0x1  }
0xb4: {  	[sflag:s29] =	ssyncadd.s32 $0xFFFFFFFF  }
0xb5: {  	_ =	strace $0x90000048  }
0xb6: {  	_ =	sfence  }
0xb7: {  	s30 =	sld [smem:$0x0];
	_ =	sdelay $0x2  }
0xb8: {  	s31 =	sshll.u32 s1, $0xD;
	s1 =	sshrl.u32 s1, $0x2  }
0xb9: {  	s3 =	sand.u32 $0x4000, s31;
	s1 =	sadd.s32 s1, s30  }
0xba: {  	s0 =	sor.u32 s3, s0;
	s1 =	sshll.u32 s1, $0x11  }
0xbb: {  	s0 =	sor.u32 s1, s0  }
0xbc: {  	s0 =	sadd.s32 $0x8F2B, s0  }
0xbd: {  	[sflag:s0] =	ssyncadd.remote.s32 $0x1  }
0xbe: {  	_ =	sfence.sel $0xFFFF  }
0xbf: {  	[dreg:$0x0] =	wrdreg $0xFFFFFFFF;
	(pc) =	sbr.abs _section_cstart, $3  }
0xc0: {  	[dreg:$0x1] =	wrdreg $0xFFFFFFFF  }
0xc1: {  	_ =	task.clear_ibuf [dreg:s6], $0x2FFFF;
	_ =	strace $0x9FFFFFFF  }
0xc2: {  	(tm) =	ssettm $0x7FFFFFFF  }
0xc3: {  	_ =	shalt  }
tec
execute0_lowered:
.L_overlay_start_1:
0x0: {  	(tag) =	ssettag $0x1  }
0x1: {  	s4 =	rddreg [dreg:$0x0]  }
0x2: {  	s1 =	rddreg [dreg:$0x1]  }
0x3: {  	s0 =	rddreg [dreg:$0x2];
	s2 =	simm.s32 $0x0  }
0x4: {  	s3 =	stileid.u32;
	s5 =	srdreg.scid;
	s13 =	simm.s32 $0x6880  }
0x5: {  	s14 =	simm.s32 $0x1;
	s15 =	simm.s32 $0x50;
	s16 =	simm.s32 $0x4000  }
0x6: {  	s17 =	simm.s32 $0x4080;
	[smem:$0x7FF] =	sst s2;
	s8 =	smul.u32 $0x50000, s3  }
0x7: {  	s6 =	sshll.u32 s3, $0xB;
	s5 =	sand.u32 $0x1, s5;
	s24 =	smul.u32 $0x13800, s3  }
0x8: {  	s9 =	sadd.s32 $0x12800, s4;
	s26 =	smul.u32 $0x4E000, s3;
	s19 =	sadd.s32 $0x138000, s1  }
0x9: {  	p0 =	sne.s32 s3, $0x0;
	_ =	strace $0x80000047;
	s6 =	sadd.s32 s6, s4  }
0xa: {  	s7 =	ssub.s32 $0x2, s5;
	s10 =	smul.u32 $0x138800, s5;
	s23 =	sshll.u32 s5, $0xF  }
0xb: {  	s19 =	sshrl.u32 @!p0 s19, $0x3;
	s22 =	sshrl.u32 s7, $0x1;
	s25 =	sshrl.u32 s8, $0x2  }
0xc: {  	s6 =	sadd.s32 s23, s6;
	s29 =	sshrl.u32 s26, $0x2;
	s11 =	ssub.s32 s7, s22  }
0xd: {  	s4 =	sadd.s32 s25, s1;
	s5 =	sadd.s32 $0x2800, s6;
	s28 =	sadd.s32 s24, s10  }
0xe: {  	s30 =	sshrl.u32 s10, $0x3;
	s18 =	sadd.s32 s29, s1;
	s6 =	sshrl.u32 s28, $0x3  }
0xf: {  	s31 =	sadd.s32 s9, s30;
	s8 =	smax.u32 s11, $0x1;
	s10 =	sadd.s32 $0x8000, s4  }
0x10: {  	s11 =	sadd.s32 $0xC000, s4;
	s12 =	sadd.s32 $0x10000, s4;
	s18 =	sshrl.u32 s18, $0x3  }
0x11: {  	v0 =	vimm.f32 $1.000000000e+00;
	v1 =	vimm.f32 $0.0e+00;
	s6 =	sadd.s32 s9, s6;
	s7 =	sadd.s32 $0x27000, s31;
	s9 =	sadd.s32 $0x4000, s4  }
.LBB2_1:
0x12: {  	s20 =	simm.s32 $0x0  }
.LBB2_2:
0x13: {  	p1 =	sne.s32 s20, $0x9E00  }
.Ltmp0:
0x14: {  	_ = 	snop;
	(pc) =	sbr.rel @p1 .LBB2_2-.Ltmp0, $3  }
0x15: {  	_ =	sdelay $0x1  }
0x16: {  	s21 =	sshra.s32 s20, $0x2  }
0x17: {  	s20 =	sadd.s32 $0x200, s20;
	[tilespmem:s21+$0x4080] =	vst v0  }
0x18: {  	s20 =	simm.s32 $0x200;
	s21 =	simm.s32 $0x0  }
.LBB2_4:
0x19: {  	p1 =	sne.s32 s20, $0xFE00;
	[tilespmem:s21+$0x6880] =	vst v1;
	s21 =	smov.u32 s20;
	s20 =	sadd.s32 $0x200, s20  }
.Ltmp1:
0x1a: {  	(pc) =	sbr.rel @p1 .LBB2_4-.Ltmp1, $2  }
0x1b: {  	_ =	sdelay $0x2  }
0x1c: {  	s21 =	sshra.s32 s21, $0x2  }
0x1d: {  	[tilespmem:s21+$0x6880] =	vst v1  }
0x1e: {  	[spmem:s4] =	stream.linear.scatter [tilespmem:s13], [sflag:$0x1], $0x4000, $0x38;
	[tilespmem:$0xD080] =	vst v63  }
0x1f: {  	_ =	swait.ge [sflag:s14], $0x4000  }
0x20: {  	[sflag:s14] =	ssyncset.done $0x0  }
0x21: {  	[sflag:s14] =	ssyncadd.s32 $0xFFFFC000  }
0x22: {  	[spmem:s9] =	stream.linear.scatter [tilespmem:s13], [sflag:$0x1], $0x4000, $0x38;
	[tilespmem:$0xD080] =	vst v63  }
0x23: {  	_ =	swait.ge [sflag:s14], $0x4000  }
0x24: {  	[sflag:s14] =	ssyncset.done $0x0  }
0x25: {  	[sflag:s14] =	ssyncadd.s32 $0xFFFFC000  }
0x26: {  	[spmem:s10] =	stream.linear.scatter [tilespmem:s13], [sflag:$0x1], $0x4000, $0x38;
	[tilespmem:$0xD080] =	vst v63  }
0x27: {  	_ =	swait.ge [sflag:s14], $0x4000  }
0x28: {  	[sflag:s14] =	ssyncset.done $0x0  }
0x29: {  	[sflag:s14] =	ssyncadd.s32 $0xFFFFC000  }
0x2a: {  	[spmem:s11] =	stream.linear.scatter [tilespmem:s13], [sflag:$0x1], $0x4000, $0x38;
	[tilespmem:$0xD080] =	vst v63  }
0x2b: {  	_ =	swait.ge [sflag:s14], $0x4000  }
0x2c: {  	[sflag:s14] =	ssyncset.done $0x0  }
0x2d: {  	[sflag:s14] =	ssyncadd.s32 $0xFFFFC000  }
0x2e: {  	[spmem:s12] =	stream.linear.scatter [tilespmem:s13], [sflag:$0x1], $0x4000, $0x38;
	[tilespmem:$0xD080] =	vst v63  }
0x2f: {  	_ =	swait.ge [sflag:s14], $0x4000  }
0x30: {  	[sflag:s14] =	ssyncset.done $0x0  }
0x31: {  	s20 =	simm.s32 $0x0;
	[sflag:s14] =	ssyncadd.s32 $0xFFFFC000  }
0x32: {  	[tilespmem:s20], [sflag:$0x1] =	stream.linear.gather [hbm4b:s5+s20], $0x3E80, $0x38;
	[tilespmem:$0xD080] =	vst v63  }
0x33: {  	_ =	swait.ge [sflag:s14], $0x3E80  }
0x34: {  	[sflag:s14] =	ssyncset.done $0x0  }
0x35: {  	[sflag:s14] =	ssyncadd.s32 $0xFFFFC180  }
0x36: {  	s31 =	simm.s32 $0x0;
	[bflag:$0x0] =	sbarrier.arrive $0xFFFF  }
0x37: {  	v2 =	vld [tilespmem:s31+$0x0];
	_ =	sdelay $0x4  }
0x38: {  	v2 =	vshrl.u32 v2, $0x10  }
0x39: {  	[tilespmem:$0x4000] =	vst v2  }
0x3a: {  	v2 =	vld [tilespmem:s31+$0x10];
	_ =	sdelay $0x4  }
0x3b: {  	v2 =	vshrl.u32 v2, $0x10  }
0x3c: {  	[tilespmem:$0x4010] =	vst v2  }
0x3d: {  	v2 =	vld [tilespmem:s31+$0x20];
	_ =	sdelay $0x4  }
0x3e: {  	v2 =	vshrl.u32 v2, $0x10  }
0x3f: {  	[tilespmem:$0x4020] =	vst v2  }
0x40: {  	v2 =	vld [tilespmem:s31+$0x30];
	_ =	sdelay $0x4  }
0x41: {  	v2 =	vshrl.u32 v2, $0x10  }
0x42: {  	[tilespmem:$0x4030] =	vst v2  }
0x43: {  	v2 =	vld [tilespmem:s31+$0x40];
	_ =	sdelay $0x4  }
0x44: {  	v2 =	vshrl.u32 v2, $0x10  }
0x45: {  	[tilespmem:$0x4040] =	vst v2  }
0x46: {  	[spmem:s1] =	stream.indirect.scatter.add.f32 [tilespmem:s17], [sflag:$0x1], $0x10, s16, s15, $0xb8;
	[tilespmem:$0xD080] =	vst v63  }
0x47: {  	_ =	swait.ge [sflag:s14], $0x500  }
0x48: {  	s21 =	simm.s32 $0x400;
	s20 =	simm.s32 $0x200;
	[sflag:s14] =	ssyncset.done $0x0  }
.LBB2_6:
0x49: {  	s22 =	sshra.s32 s20, $0x2  }
0x4a: {  	[sflag:s14] =	ssyncadd.s32 $0xFFFFFB00;
	s20 =	smov.u32 s21;
	s23 =	sadd.s32 $0x200, s21  }
0x4b: {  	p1 =	sne.s32 s21, $0xF800;
	v2 =	vld [tilespmem:s22+$0x0];
	_ =	sdelay $0x4  }
0x4c: {  	v2 =	vshrl.u32 v2, $0x10  }
0x4d: {  	[tilespmem:$0x4000] =	vst v2  }
0x4e: {  	v2 =	vld [tilespmem:s22+$0x10];
	_ =	sdelay $0x4  }
0x4f: {  	v2 =	vshrl.u32 v2, $0x10  }
0x50: {  	[tilespmem:$0x4010] =	vst v2  }
0x51: {  	v2 =	vld [tilespmem:s22+$0x20];
	_ =	sdelay $0x4  }
0x52: {  	v2 =	vshrl.u32 v2, $0x10  }
0x53: {  	[tilespmem:$0x4020] =	vst v2  }
0x54: {  	v2 =	vld [tilespmem:s22+$0x30];
	_ =	sdelay $0x4  }
0x55: {  	v2 =	vshrl.u32 v2, $0x10  }
0x56: {  	[tilespmem:$0x4030] =	vst v2  }
0x57: {  	v2 =	vld [tilespmem:s22+$0x40];
	_ =	sdelay $0x4  }
.Ltmp2:
0x58: {  	v2 =	vshrl.u32 v2, $0x10;
	(pc) =	sbr.rel @p1 .LBB2_6-.Ltmp2, $4  }
0x59: {  	[tilespmem:$0x4040] =	vst v2  }
0x5a: {  	[spmem:s1] =	stream.indirect.scatter.add.f32 [tilespmem:s17], [sflag:$0x1], $0x10, s16, s15, $0xb8;
	[tilespmem:$0xD080] =	vst v63  }
0x5b: {  	_ =	swait.ge [sflag:s14], $0x500  }
0x5c: {  	s21 =	smov.u32 s23;
	[sflag:s14] =	ssyncset.done $0x0  }
0x5d: {  	s20 =	sshra.s32 s20, $0x2;
	[sflag:s14] =	ssyncadd.s32 $0xFFFFFB00  }
0x5e: {  	v2 =	vld [tilespmem:s20+$0x0];
	_ =	sdelay $0x4  }
0x5f: {  	v2 =	vshrl.u32 v2, $0x10  }
0x60: {  	[tilespmem:$0x4000] =	vst v2  }
0x61: {  	v2 =	vld [tilespmem:s20+$0x10];
	_ =	sdelay $0x4  }
0x62: {  	v2 =	vshrl.u32 v2, $0x10  }
0x63: {  	[tilespmem:$0x4010] =	vst v2  }
0x64: {  	v2 =	vld [tilespmem:s20+$0x20];
	_ =	sdelay $0x4  }
0x65: {  	v2 =	vshrl.u32 v2, $0x10  }
0x66: {  	[tilespmem:$0x4020] =	vst v2  }
0x67: {  	v2 =	vld [tilespmem:s20+$0x30];
	_ =	sdelay $0x4  }
0x68: {  	v2 =	vshrl.u32 v2, $0x10  }
0x69: {  	[tilespmem:$0x4030] =	vst v2  }
0x6a: {  	v2 =	vld [tilespmem:s20+$0x40];
	_ =	sdelay $0x4  }
0x6b: {  	v2 =	vshrl.u32 v2, $0x10  }
0x6c: {  	[tilespmem:$0x4040] =	vst v2  }
0x6d: {  	[spmem:s1] =	stream.indirect.scatter.add.f32 [tilespmem:s17], [sflag:$0x1], $0x10, s16, s15, $0xb8;
	[tilespmem:$0xD080] =	vst v63  }
0x6e: {  	_ =	swait.ge [sflag:s14], $0x500  }
0x6f: {  	[sflag:s14] =	ssyncset.done $0x0  }
0x70: {  	s31 =	sshll.u32 s3, $0x6;
	[sflag:s14] =	ssyncadd.s32 $0xFFFFFB00  }
0x71: {  	s20 =	sor.u32 $0x1C01, s31;
	[bflag:$0x0] =	sbarrier.arrive $0xFFFF  }
0x72: {  	[hbm:s6], [sflag:s20] =	dma.local [spmem:s18], $0x2700  }
0x73: {  	_ =	swait.ge [sflag:s14], $0x2700  }
0x74: {  	s2 =	sadd.s32 $0x1, s2;
	[sflag:s14] =	ssyncset.done $0x0  }
0x75: {  	p1 =	sne.s32 s2, s8;
	[sflag:s14] =	ssyncadd.s32 $0xFFFFD900  }
0x76: {  	[hbm:s7], [sflag:s20] =	dma.local @!p0 [spmem:s19], $0x100  }
.Ltmp3:
0x77: {  	_ = 	snop;
	(pc) =	sbr.rel @p1 .LBB2_1-.Ltmp3, $4  }
0x78: {  	s20 =	simm.s32 @!p0 $0x1  }
0x79: {  	_ =	swait.ge @!p0 [sflag:s20], $0x100  }
0x7a: {  	[sflag:s20] =	ssyncset.done @!p0 $0x0  }
0x7b: {  	[sflag:s20] =	ssyncadd.s32 @!p0 $0xFFFFFF00  }
0x7c: {  	_ =	sfence.sel $0x180000  }
0x7d: {  	[bflag:$0x0] =	sbarrier.arrive $0xFFFF  }
0x7e: {  	_ =	strace $0x90000047  }
0x7f: {  	s0 =	sadd.s32 @!p0 $0x100000, s0;
	[bflag:$0x2] =	sbarrier.arrive $0xFFFF  }
0x80: {  	[sflag:s0] =	ssyncadd.tile.s32 @!p0 $0x1;
	_ =	shalt  }
.Lfunc_end2:
_tile_overlayer_lowered:
.L_overlay_start_2:
0x81: {  	(tag) =	ssettag $0x2  }
0x82: {  	s0 =	rddreg [dreg:$0x0];
	s2 =	stileid.u32  }
0x83: {  	s1 =	rddreg [dreg:$0x1];
	p0 =	sne.s32 s2, $0x0  }
0x84: {  	s3 =	rddreg [dreg:$0x2];
	[bflag:$0x3] =	sbarrier.arrive $0xFFFF;
	s2 =	simm.s32 @!p0 $0x1C01  }
0x85: {  	[timem:s3], [sflag:s2] =	dma.local @!p0 [hbm:s0], s1  }
0x86: {  	s0 =	simm.s32 @!p0 $0x1  }
0x87: {  	_ =	swait.ge @!p0 [sflag:s0], s1  }
0x88: {  	s1 =	ssub.s32 @!p0 $0x0, s1;
	[sflag:s0] =	ssyncset.done @!p0 $0x0  }
0x89: {  	[sflag:s0] =	ssyncadd.s32 @!p0 s1  }
0x8a: {  	[bflag:$0x3] =	sbarrier.arrive $0xFFFF  }
0x8b: {  	_ =	shalt  }

</sc_bundles>
